<compile_context>
chip_gen: v7x
topology: tpu7x:2x2x1
jax: 0.10.2.dev20260603
libtpu: 0.0.44.dev20260713+nightly
codegen_flags: <defaults>
</compile_context>

<pallas_src>
import functools

import jax
import jax.numpy as jnp
from jax import lax
from jax.experimental import pallas as pl
from jax.experimental.pallas import tpu as pltpu
from jax.experimental.pallas import tpu_sc as plsc

EPS = 1e-12

NUM_CORES = 2
NUM_SUBCORES = 16
GATHER_CHUNK = 32
NBUF = 4
AHEAD = 3


def _sc_gather(table, idx):
    b, = idx.shape
    _, d = table.shape
    n_workers = NUM_CORES * NUM_SUBCORES
    b_per_w = b // n_workers
    n_chunks = b_per_w // GATHER_CHUNK
    mesh = plsc.VectorSubcoreMesh(
        core_axis_name="c", subcore_axis_name="s", num_cores=NUM_CORES
    )

    @functools.partial(
        pl.kernel,
        mesh=mesh,
        out_type=jax.ShapeDtypeStruct((b, d), jnp.float32),
        scratch_types=[
            pltpu.VMEM((b_per_w,), jnp.int32),
        ] + [pltpu.VMEM((GATHER_CHUNK, d), jnp.float32)] * NBUF
          + [pltpu.SemaphoreType.DMA] * (2 * NBUF),
    )
    def gather_kernel(table_hbm, idx_hbm, out_hbm, idx_v, *bufs_and_sems):
        bufs = bufs_and_sems[:NBUF]
        gsems = bufs_and_sems[NBUF:2 * NBUF]
        wsems = bufs_and_sems[2 * NBUF:]
        wid = lax.axis_index("c") * NUM_SUBCORES + lax.axis_index("s")
        base = wid * b_per_w
        pltpu.sync_copy(idx_hbm.at[pl.ds(base, b_per_w)], idx_v)

        def issue_gather(i):
            pltpu.async_copy(
                table_hbm.at[idx_v.at[pl.ds(i * GATHER_CHUNK, GATHER_CHUNK)]],
                bufs[i % NBUF], gsems[i % NBUF],
            )

        for i in range(min(AHEAD, n_chunks)):
            issue_gather(i)
        for i in range(n_chunks):
            j = i + AHEAD
            if j < n_chunks:
                if i >= 1:
                    pltpu.make_async_copy(
                        bufs[(i - 1) % NBUF],
                        out_hbm.at[pl.ds(0, GATHER_CHUNK)],
                        wsems[(i - 1) % NBUF],
                    ).wait()
                issue_gather(j)
            pltpu.make_async_copy(
                table_hbm.at[pl.ds(0, GATHER_CHUNK)], bufs[i % NBUF],
                gsems[i % NBUF],
            ).wait()
            pltpu.async_copy(
                bufs[i % NBUF],
                out_hbm.at[pl.ds(base + i * GATHER_CHUNK, GATHER_CHUNK)],
                wsems[i % NBUF],
            )
        for i in range(max(0, n_chunks - NBUF), n_chunks):
            pltpu.make_async_copy(
                bufs[i % NBUF], out_hbm.at[pl.ds(0, GATHER_CHUNK)],
                wsems[i % NBUF],
            ).wait()

    return gather_kernel(table, idx)


def _ln_body(x_ref, pos_ref, gamma_ref, beta_ref, *rest):
    out_ref = rest[-1]
    pos_start = (pl.program_id(0) % (pos_ref.shape[0] // x_ref.shape[0])) \
        * x_ref.shape[0]
    x = x_ref[...] + pos_ref[pl.ds(pos_start, x_ref.shape[0]), :]
    mean = jnp.mean(x, axis=-1, keepdims=True)
    centered = x - mean
    var = jnp.mean(centered * centered, axis=-1, keepdims=True)
    normed = centered * lax.rsqrt(var + EPS)
    out_ref[...] = normed * gamma_ref[...] + beta_ref[...]


def _tc_add_ln_part(gathered, pos_table, gamma, beta, part_idx, n_total,
                    block_rows, prev_out):
    rows, d = gathered.shape
    s = pos_table.shape[0]
    blocks_per_part = rows // block_rows
    in_specs = [
        pl.BlockSpec((block_rows, d), lambda i: (i, 0)),
        pl.BlockSpec((s, d), lambda i: (0, 0)),
        pl.BlockSpec((1, d), lambda i: (0, 0)),
        pl.BlockSpec((1, d), lambda i: (0, 0)),
    ]
    operands = [gathered, pos_table, gamma.reshape(1, d), beta.reshape(1, d)]
    aliases = {}
    if prev_out is not None:
        in_specs.append(pl.BlockSpec(memory_space=pl.ANY))
        operands.append(prev_out)
        aliases = {4: 0}
    base = part_idx * blocks_per_part
    return pl.pallas_call(
        _ln_body,
        grid=(blocks_per_part,),
        in_specs=in_specs,
        out_specs=pl.BlockSpec((block_rows, d), lambda i: (base + i, 0)),
        out_shape=jax.ShapeDtypeStruct((n_total, d), jnp.float32),
        input_output_aliases=aliases,
        compiler_params=pltpu.CompilerParams(
            dimension_semantics=("arbitrary",),
        ),
    )(*operands)


NSPLIT = 1


def kernel(input_ids, word_table, pos_table, gamma, beta):
    batch, seq = input_ids.shape
    d = word_table.shape[1]
    n = batch * seq
    ids_flat = input_ids.reshape(-1).astype(jnp.int32)
    rows_per_split = n // NSPLIT
    gathered = [
        _sc_gather(
            word_table,
            lax.slice(ids_flat, (h * rows_per_split,),
                      ((h + 1) * rows_per_split,)),
        )
        for h in range(NSPLIT)
    ]
    out = None
    for h in range(NSPLIT):
        out = _tc_add_ln_part(gathered[h], pos_table, gamma, beta, h, n,
                              block_rows=2048, prev_out=out)
    return out.reshape(batch, seq, d)

# --- scband reference (transcript-rebuilt; emitter-appended) ---
"""Pipeline reference for scband-distil-bert-embeddings-88845693485102 (READ-ONLY COPY).

The authoritative reference and input builder live on the scoring server;
editing this copy changes nothing except your own understanding.
"""

import jax, jax.numpy as jnp
import numpy as np

VOCAB = 100000
HIDDEN = 768
MAX_POS = 2048
BATCH = 4
SEQ = 2048
EPS = 1e-12


def setup_inputs(seed: int = 0) -> dict:
    key = jax.random.key(seed)
    k1, k2, k3 = jax.random.split(key, 3)
    input_ids = jax.random.randint(k1, (BATCH, SEQ), 0, VOCAB, dtype=jnp.int64 if jax.config.jax_enable_x64 else jnp.int32)
    word_table = jax.random.normal(k2, (VOCAB, HIDDEN), dtype=jnp.float32) * 0.02
    pos_table = jax.random.normal(k3, (MAX_POS, HIDDEN), dtype=jnp.float32) * 0.02
    gamma = jnp.ones((HIDDEN,), dtype=jnp.float32)
    beta = jnp.zeros((HIDDEN,), dtype=jnp.float32)
    return {"input_ids": input_ids, "word_table": word_table, "pos_table": pos_table, "gamma": gamma, "beta": beta}


def reference(input_ids, word_table, pos_table, gamma, beta):
    seq_len = input_ids.shape[1]
    # word embedding lookup (gather)
    word_embeds = jnp.take(word_table, input_ids, axis=0)  # [B, S, H]
    # learned position embeddings, positions generated automatically
    position_ids = jnp.arange(seq_len)[None, :]  # [1, S]
    position_embeds = jnp.take(pos_table, position_ids, axis=0)  # [1, S, H]
    embeddings = word_embeds + position_embeds
    # layer norm over last axis, eps=1e-12
    mean = jnp.mean(embeddings, axis=-1, keepdims=True)
    var = jnp.mean(jnp.square(embeddings - mean), axis=-1, keepdims=True)
    normed = (embeddings - mean) / jnp.sqrt(var + EPS)
    out = normed * gamma + beta
    # dropout is identity at inference
    return out

if __name__ == "__main__":
    import jax
    _d = setup_inputs()
    print(jax.jit(kernel)(*tuple(_d.values())))

</pallas_src>

<mosaic_0001>
#map = affine_map<(d0, d1) -> (0, 0)>
#map1 = affine_map<(d0, d1) -> (0)>
module attributes {stable_mosaic.version = 14 : i64} {
  func.func @gather_kernel(%arg0: i32, %arg1: i32, %arg2: memref<100000x768xf32, #tpu.memory_space<hbm>>, %arg3: memref<8192xi32, #tpu.memory_space<hbm>>, %arg4: memref<8192x768xf32, #tpu.memory_space<hbm>>, %arg5: memref<256xi32, #tpu.memory_space<vmem>>, %arg6: memref<32x768xf32, #tpu.memory_space<vmem>>, %arg7: memref<32x768xf32, #tpu.memory_space<vmem>>, %arg8: memref<32x768xf32, #tpu.memory_space<vmem>>, %arg9: memref<32x768xf32, #tpu.memory_space<vmem>>, %arg10: memref<!tpu.dma_semaphore, #tpu.memory_space<semaphore_mem>>, %arg11: memref<!tpu.dma_semaphore, #tpu.memory_space<semaphore_mem>>, %arg12: memref<!tpu.dma_semaphore, #tpu.memory_space<semaphore_mem>>, %arg13: memref<!tpu.dma_semaphore, #tpu.memory_space<semaphore_mem>>, %arg14: memref<!tpu.dma_semaphore, #tpu.memory_space<semaphore_mem>>, %arg15: memref<!tpu.dma_semaphore, #tpu.memory_space<semaphore_mem>>, %arg16: memref<!tpu.dma_semaphore, #tpu.memory_space<semaphore_mem>>, %arg17: memref<!tpu.dma_semaphore, #tpu.memory_space<semaphore_mem>>) attributes {dimension_semantics = [#tpu.dimension_semantics<core_parallel>, #tpu.dimension_semantics<subcore_parallel>], iteration_bounds = array<i64: 2, 16>, scalar_prefetch = 0 : i64, scratch_operands = 13 : i64, tpu.core_type = #tpu.core_type<sc_vector_subcore>, window_params = [{transform_indices = #map}, {transform_indices = #map1}, {transform_indices = #map}]} {
    %mul3A = arith.constant 16 : i32
    %mul3A_0 = arith.muli %arg0, %mul3A : i32
    %add3A = arith.addi %mul3A_0, %arg1 : i32
    %mul3A_1 = arith.constant 256 : i32
    %mul3A_2 = arith.muli %add3A, %mul3A_1 : i32
    "tpu.region"() ({
      %run_scoped3A = tpu.sem_alloc : memref<!tpu.dma_semaphore, #tpu.memory_space<semaphore_mem>>
      %dma_start3A_185 = tpu.memref_slice %arg3[%mul3A_2] : memref<8192xi32, #tpu.memory_space<hbm>> -> memref<256xi32, #tpu.memory_space<hbm>>
      %dma_start3A_186 = tpu.memref_slice %arg3[%mul3A_2] : memref<8192xi32, #tpu.memory_space<hbm>> -> memref<256xi32, #tpu.memory_space<hbm>>
      tpu.enqueue_dma source(%dma_start3A_186 : memref<256xi32, #tpu.memory_space<hbm>>) target(%arg5 : memref<256xi32, #tpu.memory_space<vmem>>) target_semaphore(%run_scoped3A : memref<!tpu.dma_semaphore, #tpu.memory_space<semaphore_mem>>)
      %dma_wait3A_187 = tpu.memref_slice %arg3[%mul3A_2] : memref<8192xi32, #tpu.memory_space<hbm>> -> memref<256xi32, #tpu.memory_space<hbm>>
      %dma_wait3A_188 = tpu.memref_slice %arg3[%mul3A_2] : memref<8192xi32, #tpu.memory_space<hbm>> -> memref<256xi32, #tpu.memory_space<hbm>>
      tpu.wait_dma2 semaphore(%run_scoped3A : memref<!tpu.dma_semaphore, #tpu.memory_space<semaphore_mem>>) src(%dma_wait3A_188 : memref<256xi32, #tpu.memory_space<hbm>>) dst(%arg5 : memref<256xi32, #tpu.memory_space<vmem>>)
      tpu.yield
    }) : () -> ()
    %dma_start3A = arith.constant 0 : i32
    %dma_start3A_3 = tpu.memref_slice %arg5[%dma_start3A] : memref<256xi32, #tpu.memory_space<vmem>> -> memref<32xi32, #tpu.memory_space<vmem>>
    %dma_start3A_4 = arith.constant 0 : i32
    %dma_start3A_5 = arith.constant 0 : i32
    %dma_start3A_6 = tpu.memref_slice %arg2[%dma_start3A_4, %dma_start3A_5] : memref<100000x768xf32, #tpu.memory_space<hbm>> -> memref<100000x768xf32, #tpu.memory_space<hbm>>
    tpu.enqueue_indirect_dma source(%dma_start3A_6 : memref<100000x768xf32, #tpu.memory_space<hbm>>) target(%arg6 : memref<32x768xf32, #tpu.memory_space<vmem>>) offsets(%dma_start3A_3 : memref<32xi32, #tpu.memory_space<vmem>>) semaphore(%arg10 : memref<!tpu.dma_semaphore, #tpu.memory_space<semaphore_mem>>)
    %dma_start3A_7 = arith.constant 32 : i32
    %dma_start3A_8 = tpu.memref_slice %arg5[%dma_start3A_7] : memref<256xi32, #tpu.memory_space<vmem>> -> memref<32xi32, #tpu.memory_space<vmem>>
    %dma_start3A_9 = arith.constant 0 : i32
    %dma_start3A_10 = arith.constant 0 : i32
    %dma_start3A_11 = tpu.memref_slice %arg2[%dma_start3A_9, %dma_start3A_10] : memref<100000x768xf32, #tpu.memory_space<hbm>> -> memref<100000x768xf32, #tpu.memory_space<hbm>>
    tpu.enqueue_indirect_dma source(%dma_start3A_11 : memref<100000x768xf32, #tpu.memory_space<hbm>>) target(%arg7 : memref<32x768xf32, #tpu.memory_space<vmem>>) offsets(%dma_start3A_8 : memref<32xi32, #tpu.memory_space<vmem>>) semaphore(%arg11 : memref<!tpu.dma_semaphore, #tpu.memory_space<semaphore_mem>>)
    %dma_start3A_12 = arith.constant 64 : i32
    %dma_start3A_13 = tpu.memref_slice %arg5[%dma_start3A_12] : memref<256xi32, #tpu.memory_space<vmem>> -> memref<32xi32, #tpu.memory_space<vmem>>
    %dma_start3A_14 = arith.constant 0 : i32
    %dma_start3A_15 = arith.constant 0 : i32
    %dma_start3A_16 = tpu.memref_slice %arg2[%dma_start3A_14, %dma_start3A_15] : memref<100000x768xf32, #tpu.memory_space<hbm>> -> memref<100000x768xf32, #tpu.memory_space<hbm>>
    tpu.enqueue_indirect_dma source(%dma_start3A_16 : memref<100000x768xf32, #tpu.memory_space<hbm>>) target(%arg8 : memref<32x768xf32, #tpu.memory_space<vmem>>) offsets(%dma_start3A_13 : memref<32xi32, #tpu.memory_space<vmem>>) semaphore(%arg12 : memref<!tpu.dma_semaphore, #tpu.memory_space<semaphore_mem>>)
    %dma_start3A_17 = arith.constant 96 : i32
    %dma_start3A_18 = tpu.memref_slice %arg5[%dma_start3A_17] : memref<256xi32, #tpu.memory_space<vmem>> -> memref<32xi32, #tpu.memory_space<vmem>>
    %dma_start3A_19 = arith.constant 0 : i32
    %dma_start3A_20 = arith.constant 0 : i32
    %dma_start3A_21 = tpu.memref_slice %arg2[%dma_start3A_19, %dma_start3A_20] : memref<100000x768xf32, #tpu.memory_space<hbm>> -> memref<100000x768xf32, #tpu.memory_space<hbm>>
    tpu.enqueue_indirect_dma source(%dma_start3A_21 : memref<100000x768xf32, #tpu.memory_space<hbm>>) target(%arg9 : memref<32x768xf32, #tpu.memory_space<vmem>>) offsets(%dma_start3A_18 : memref<32xi32, #tpu.memory_space<vmem>>) semaphore(%arg13 : memref<!tpu.dma_semaphore, #tpu.memory_space<semaphore_mem>>)
    %dma_wait3A = arith.constant 0 : i32
    %dma_wait3A_22 = arith.constant 0 : i32
    %dma_wait3A_23 = tpu.memref_slice %arg2[%dma_wait3A, %dma_wait3A_22] : memref<100000x768xf32, #tpu.memory_space<hbm>> -> memref<32x768xf32, #tpu.memory_space<hbm>>
    %dma_wait3A_24 = arith.constant 0 : i32
    %dma_wait3A_25 = arith.constant 0 : i32
    %dma_wait3A_26 = tpu.memref_slice %arg2[%dma_wait3A_24, %dma_wait3A_25] : memref<100000x768xf32, #tpu.memory_space<hbm>> -> memref<32x768xf32, #tpu.memory_space<hbm>>
    tpu.wait_dma2 semaphore(%arg10 : memref<!tpu.dma_semaphore, #tpu.memory_space<semaphore_mem>>) src(%dma_wait3A_26 : memref<32x768xf32, #tpu.memory_space<hbm>>) dst(%arg6 : memref<32x768xf32, #tpu.memory_space<vmem>>)
    %add3A_27 = arith.constant 0 : i32
    %add3A_28 = arith.addi %mul3A_2, %add3A_27 : i32
    %dma_start3A_29 = arith.constant 0 : i32
    %dma_start3A_30 = tpu.memref_slice %arg4[%add3A_28, %dma_start3A_29] : memref<8192x768xf32, #tpu.memory_space<hbm>> -> memref<32x768xf32, #tpu.memory_space<hbm>>
    %dma_start3A_31 = arith.constant 0 : i32
    %dma_start3A_32 = tpu.memref_slice %arg4[%add3A_28, %dma_start3A_31] : memref<8192x768xf32, #tpu.memory_space<hbm>> -> memref<32x768xf32, #tpu.memory_space<hbm>>
    tpu.enqueue_dma source(%arg6 : memref<32x768xf32, #tpu.memory_space<vmem>>) target(%dma_start3A_32 : memref<32x768xf32, #tpu.memory_space<hbm>>) target_semaphore(%arg14 : memref<!tpu.dma_semaphore, #tpu.memory_space<semaphore_mem>>)
    %dma_wait3A_33 = arith.constant 0 : i32
    %dma_wait3A_34 = arith.constant 0 : i32
    %dma_wait3A_35 = tpu.memref_slice %arg4[%dma_wait3A_33, %dma_wait3A_34] : memref<8192x768xf32, #tpu.memory_space<hbm>> -> memref<32x768xf32, #tpu.memory_space<hbm>>
    %dma_wait3A_36 = arith.constant 0 : i32
    %dma_wait3A_37 = arith.constant 0 : i32
    %dma_wait3A_38 = tpu.memref_slice %arg4[%dma_wait3A_36, %dma_wait3A_37] : memref<8192x768xf32, #tpu.memory_space<hbm>> -> memref<32x768xf32, #tpu.memory_space<hbm>>
    tpu.wait_dma2 semaphore(%arg14 : memref<!tpu.dma_semaphore, #tpu.memory_space<semaphore_mem>>) src(%arg6 : memref<32x768xf32, #tpu.memory_space<vmem>>) dst(%dma_wait3A_38 : memref<32x768xf32, #tpu.memory_space<hbm>>)
    %dma_start3A_39 = arith.constant 128 : i32
    %dma_start3A_40 = tpu.memref_slice %arg5[%dma_start3A_39] : memref<256xi32, #tpu.memory_space<vmem>> -> memref<32xi32, #tpu.memory_space<vmem>>
    %dma_start3A_41 = arith.constant 0 : i32
    %dma_start3A_42 = arith.constant 0 : i32
    %dma_start3A_43 = tpu.memref_slice %arg2[%dma_start3A_41, %dma_start3A_42] : memref<100000x768xf32, #tpu.memory_space<hbm>> -> memref<100000x768xf32, #tpu.memory_space<hbm>>
    tpu.enqueue_indirect_dma source(%dma_start3A_43 : memref<100000x768xf32, #tpu.memory_space<hbm>>) target(%arg6 : memref<32x768xf32, #tpu.memory_space<vmem>>) offsets(%dma_start3A_40 : memref<32xi32, #tpu.memory_space<vmem>>) semaphore(%arg10 : memref<!tpu.dma_semaphore, #tpu.memory_space<semaphore_mem>>)
    %dma_wait3A_44 = arith.constant 0 : i32
    %dma_wait3A_45 = arith.constant 0 : i32
    %dma_wait3A_46 = tpu.memref_slice %arg2[%dma_wait3A_44, %dma_wait3A_45] : memref<100000x768xf32, #tpu.memory_space<hbm>> -> memref<32x768xf32, #tpu.memory_space<hbm>>
    %dma_wait3A_47 = arith.constant 0 : i32
    %dma_wait3A_48 = arith.constant 0 : i32
    %dma_wait3A_49 = tpu.memref_slice %arg2[%dma_wait3A_47, %dma_wait3A_48] : memref<100000x768xf32, #tpu.memory_space<hbm>> -> memref<32x768xf32, #tpu.memory_space<hbm>>
    tpu.wait_dma2 semaphore(%arg11 : memref<!tpu.dma_semaphore, #tpu.memory_space<semaphore_mem>>) src(%dma_wait3A_49 : memref<32x768xf32, #tpu.memory_space<hbm>>) dst(%arg7 : memref<32x768xf32, #tpu.memory_space<vmem>>)
    %add3A_50 = arith.constant 32 : i32
    %add3A_51 = arith.addi %mul3A_2, %add3A_50 : i32
    %dma_start3A_52 = arith.constant 0 : i32
    %dma_start3A_53 = tpu.memref_slice %arg4[%add3A_51, %dma_start3A_52] : memref<8192x768xf32, #tpu.memory_space<hbm>> -> memref<32x768xf32, #tpu.memory_space<hbm>>
    %dma_start3A_54 = arith.constant 0 : i32
    %dma_start3A_55 = tpu.memref_slice %arg4[%add3A_51, %dma_start3A_54] : memref<8192x768xf32, #tpu.memory_space<hbm>> -> memref<32x768xf32, #tpu.memory_space<hbm>>
    tpu.enqueue_dma source(%arg7 : memref<32x768xf32, #tpu.memory_space<vmem>>) target(%dma_start3A_55 : memref<32x768xf32, #tpu.memory_space<hbm>>) target_semaphore(%arg15 : memref<!tpu.dma_semaphore, #tpu.memory_space<semaphore_mem>>)
    %dma_wait3A_56 = arith.constant 0 : i32
    %dma_wait3A_57 = arith.constant 0 : i32
    %dma_wait3A_58 = tpu.memref_slice %arg4[%dma_wait3A_56, %dma_wait3A_57] : memref<8192x768xf32, #tpu.memory_space<hbm>> -> memref<32x768xf32, #tpu.memory_space<hbm>>
    %dma_wait3A_59 = arith.constant 0 : i32
    %dma_wait3A_60 = arith.constant 0 : i32
    %dma_wait3A_61 = tpu.memref_slice %arg4[%dma_wait3A_59, %dma_wait3A_60] : memref<8192x768xf32, #tpu.memory_space<hbm>> -> memref<32x768xf32, #tpu.memory_space<hbm>>
    tpu.wait_dma2 semaphore(%arg15 : memref<!tpu.dma_semaphore, #tpu.memory_space<semaphore_mem>>) src(%arg7 : memref<32x768xf32, #tpu.memory_space<vmem>>) dst(%dma_wait3A_61 : memref<32x768xf32, #tpu.memory_space<hbm>>)
    %dma_start3A_62 = arith.constant 160 : i32
    %dma_start3A_63 = tpu.memref_slice %arg5[%dma_start3A_62] : memref<256xi32, #tpu.memory_space<vmem>> -> memref<32xi32, #tpu.memory_space<vmem>>
    %dma_start3A_64 = arith.constant 0 : i32
    %dma_start3A_65 = arith.constant 0 : i32
    %dma_start3A_66 = tpu.memref_slice %arg2[%dma_start3A_64, %dma_start3A_65] : memref<100000x768xf32, #tpu.memory_space<hbm>> -> memref<100000x768xf32, #tpu.memory_space<hbm>>
    tpu.enqueue_indirect_dma source(%dma_start3A_66 : memref<100000x768xf32, #tpu.memory_space<hbm>>) target(%arg7 : memref<32x768xf32, #tpu.memory_space<vmem>>) offsets(%dma_start3A_63 : memref<32xi32, #tpu.memory_space<vmem>>) semaphore(%arg11 : memref<!tpu.dma_semaphore, #tpu.memory_space<semaphore_mem>>)
    %dma_wait3A_67 = arith.constant 0 : i32
    %dma_wait3A_68 = arith.constant 0 : i32
    %dma_wait3A_69 = tpu.memref_slice %arg2[%dma_wait3A_67, %dma_wait3A_68] : memref<100000x768xf32, #tpu.memory_space<hbm>> -> memref<32x768xf32, #tpu.memory_space<hbm>>
    %dma_wait3A_70 = arith.constant 0 : i32
    %dma_wait3A_71 = arith.constant 0 : i32
    %dma_wait3A_72 = tpu.memref_slice %arg2[%dma_wait3A_70, %dma_wait3A_71] : memref<100000x768xf32, #tpu.memory_space<hbm>> -> memref<32x768xf32, #tpu.memory_space<hbm>>
    tpu.wait_dma2 semaphore(%arg12 : memref<!tpu.dma_semaphore, #tpu.memory_space<semaphore_mem>>) src(%dma_wait3A_72 : memref<32x768xf32, #tpu.memory_space<hbm>>) dst(%arg8 : memref<32x768xf32, #tpu.memory_space<vmem>>)
    %add3A_73 = arith.constant 64 : i32
    %add3A_74 = arith.addi %mul3A_2, %add3A_73 : i32
    %dma_start3A_75 = arith.constant 0 : i32
    %dma_start3A_76 = tpu.memref_slice %arg4[%add3A_74, %dma_start3A_75] : memref<8192x768xf32, #tpu.memory_space<hbm>> -> memref<32x768xf32, #tpu.memory_space<hbm>>
    %dma_start3A_77 = arith.constant 0 : i32
    %dma_start3A_78 = tpu.memref_slice %arg4[%add3A_74, %dma_start3A_77] : memref<8192x768xf32, #tpu.memory_space<hbm>> -> memref<32x768xf32, #tpu.memory_space<hbm>>
    tpu.enqueue_dma source(%arg8 : memref<32x768xf32, #tpu.memory_space<vmem>>) target(%dma_start3A_78 : memref<32x768xf32, #tpu.memory_space<hbm>>) target_semaphore(%arg16 : memref<!tpu.dma_semaphore, #tpu.memory_space<semaphore_mem>>)
    %dma_wait3A_79 = arith.constant 0 : i32
    %dma_wait3A_80 = arith.constant 0 : i32
    %dma_wait3A_81 = tpu.memref_slice %arg4[%dma_wait3A_79, %dma_wait3A_80] : memref<8192x768xf32, #tpu.memory_space<hbm>> -> memref<32x768xf32, #tpu.memory_space<hbm>>
    %dma_wait3A_82 = arith.constant 0 : i32
    %dma_wait3A_83 = arith.constant 0 : i32
    %dma_wait3A_84 = tpu.memref_slice %arg4[%dma_wait3A_82, %dma_wait3A_83] : memref<8192x768xf32, #tpu.memory_space<hbm>> -> memref<32x768xf32, #tpu.memory_space<hbm>>
    tpu.wait_dma2 semaphore(%arg16 : memref<!tpu.dma_semaphore, #tpu.memory_space<semaphore_mem>>) src(%arg8 : memref<32x768xf32, #tpu.memory_space<vmem>>) dst(%dma_wait3A_84 : memref<32x768xf32, #tpu.memory_space<hbm>>)
    %dma_start3A_85 = arith.constant 192 : i32
    %dma_start3A_86 = tpu.memref_slice %arg5[%dma_start3A_85] : memref<256xi32, #tpu.memory_space<vmem>> -> memref<32xi32, #tpu.memory_space<vmem>>
    %dma_start3A_87 = arith.constant 0 : i32
    %dma_start3A_88 = arith.constant 0 : i32
    %dma_start3A_89 = tpu.memref_slice %arg2[%dma_start3A_87, %dma_start3A_88] : memref<100000x768xf32, #tpu.memory_space<hbm>> -> memref<100000x768xf32, #tpu.memory_space<hbm>>
    tpu.enqueue_indirect_dma source(%dma_start3A_89 : memref<100000x768xf32, #tpu.memory_space<hbm>>) target(%arg8 : memref<32x768xf32, #tpu.memory_space<vmem>>) offsets(%dma_start3A_86 : memref<32xi32, #tpu.memory_space<vmem>>) semaphore(%arg12 : memref<!tpu.dma_semaphore, #tpu.memory_space<semaphore_mem>>)
    %dma_wait3A_90 = arith.constant 0 : i32
    %dma_wait3A_91 = arith.constant 0 : i32
    %dma_wait3A_92 = tpu.memref_slice %arg2[%dma_wait3A_90, %dma_wait3A_91] : memref<100000x768xf32, #tpu.memory_space<hbm>> -> memref<32x768xf32, #tpu.memory_space<hbm>>
    %dma_wait3A_93 = arith.constant 0 : i32
    %dma_wait3A_94 = arith.constant 0 : i32
    %dma_wait3A_95 = tpu.memref_slice %arg2[%dma_wait3A_93, %dma_wait3A_94] : memref<100000x768xf32, #tpu.memory_space<hbm>> -> memref<32x768xf32, #tpu.memory_space<hbm>>
    tpu.wait_dma2 semaphore(%arg13 : memref<!tpu.dma_semaphore, #tpu.memory_space<semaphore_mem>>) src(%dma_wait3A_95 : memref<32x768xf32, #tpu.memory_space<hbm>>) dst(%arg9 : memref<32x768xf32, #tpu.memory_space<vmem>>)
    %add3A_96 = arith.constant 96 : i32
    %add3A_97 = arith.addi %mul3A_2, %add3A_96 : i32
    %dma_start3A_98 = arith.constant 0 : i32
    %dma_start3A_99 = tpu.memref_slice %arg4[%add3A_97, %dma_start3A_98] : memref<8192x768xf32, #tpu.memory_space<hbm>> -> memref<32x768xf32, #tpu.memory_space<hbm>>
    %dma_start3A_100 = arith.constant 0 : i32
    %dma_start3A_101 = tpu.memref_slice %arg4[%add3A_97, %dma_start3A_100] : memref<8192x768xf32, #tpu.memory_space<hbm>> -> memref<32x768xf32, #tpu.memory_space<hbm>>
    tpu.enqueue_dma source(%arg9 : memref<32x768xf32, #tpu.memory_space<vmem>>) target(%dma_start3A_101 : memref<32x768xf32, #tpu.memory_space<hbm>>) target_semaphore(%arg17 : memref<!tpu.dma_semaphore, #tpu.memory_space<semaphore_mem>>)
    %dma_wait3A_102 = arith.constant 0 : i32
    %dma_wait3A_103 = arith.constant 0 : i32
    %dma_wait3A_104 = tpu.memref_slice %arg4[%dma_wait3A_102, %dma_wait3A_103] : memref<8192x768xf32, #tpu.memory_space<hbm>> -> memref<32x768xf32, #tpu.memory_space<hbm>>
    %dma_wait3A_105 = arith.constant 0 : i32
    %dma_wait3A_106 = arith.constant 0 : i32
    %dma_wait3A_107 = tpu.memref_slice %arg4[%dma_wait3A_105, %dma_wait3A_106] : memref<8192x768xf32, #tpu.memory_space<hbm>> -> memref<32x768xf32, #tpu.memory_space<hbm>>
    tpu.wait_dma2 semaphore(%arg17 : memref<!tpu.dma_semaphore, #tpu.memory_space<semaphore_mem>>) src(%arg9 : memref<32x768xf32, #tpu.memory_space<vmem>>) dst(%dma_wait3A_107 : memref<32x768xf32, #tpu.memory_space<hbm>>)
    %dma_start3A_108 = arith.constant 224 : i32
    %dma_start3A_109 = tpu.memref_slice %arg5[%dma_start3A_108] : memref<256xi32, #tpu.memory_space<vmem>> -> memref<32xi32, #tpu.memory_space<vmem>>
    %dma_start3A_110 = arith.constant 0 : i32
    %dma_start3A_111 = arith.constant 0 : i32
    %dma_start3A_112 = tpu.memref_slice %arg2[%dma_start3A_110, %dma_start3A_111] : memref<100000x768xf32, #tpu.memory_space<hbm>> -> memref<100000x768xf32, #tpu.memory_space<hbm>>
    tpu.enqueue_indirect_dma source(%dma_start3A_112 : memref<100000x768xf32, #tpu.memory_space<hbm>>) target(%arg9 : memref<32x768xf32, #tpu.memory_space<vmem>>) offsets(%dma_start3A_109 : memref<32xi32, #tpu.memory_space<vmem>>) semaphore(%arg13 : memref<!tpu.dma_semaphore, #tpu.memory_space<semaphore_mem>>)
    %dma_wait3A_113 = arith.constant 0 : i32
    %dma_wait3A_114 = arith.constant 0 : i32
    %dma_wait3A_115 = tpu.memref_slice %arg2[%dma_wait3A_113, %dma_wait3A_114] : memref<100000x768xf32, #tpu.memory_space<hbm>> -> memref<32x768xf32, #tpu.memory_space<hbm>>
    %dma_wait3A_116 = arith.constant 0 : i32
    %dma_wait3A_117 = arith.constant 0 : i32
    %dma_wait3A_118 = tpu.memref_slice %arg2[%dma_wait3A_116, %dma_wait3A_117] : memref<100000x768xf32, #tpu.memory_space<hbm>> -> memref<32x768xf32, #tpu.memory_space<hbm>>
    tpu.wait_dma2 semaphore(%arg10 : memref<!tpu.dma_semaphore, #tpu.memory_space<semaphore_mem>>) src(%dma_wait3A_118 : memref<32x768xf32, #tpu.memory_space<hbm>>) dst(%arg6 : memref<32x768xf32, #tpu.memory_space<vmem>>)
    %add3A_119 = arith.constant 128 : i32
    %add3A_120 = arith.addi %mul3A_2, %add3A_119 : i32
    %dma_start3A_121 = arith.constant 0 : i32
    %dma_start3A_122 = tpu.memref_slice %arg4[%add3A_120, %dma_start3A_121] : memref<8192x768xf32, #tpu.memory_space<hbm>> -> memref<32x768xf32, #tpu.memory_space<hbm>>
    %dma_start3A_123 = arith.constant 0 : i32
    %dma_start3A_124 = tpu.memref_slice %arg4[%add3A_120, %dma_start3A_123] : memref<8192x768xf32, #tpu.memory_space<hbm>> -> memref<32x768xf32, #tpu.memory_space<hbm>>
    tpu.enqueue_dma source(%arg6 : memref<32x768xf32, #tpu.memory_space<vmem>>) target(%dma_start3A_124 : memref<32x768xf32, #tpu.memory_space<hbm>>) target_semaphore(%arg14 : memref<!tpu.dma_semaphore, #tpu.memory_space<semaphore_mem>>)
    %dma_wait3A_125 = arith.constant 0 : i32
    %dma_wait3A_126 = arith.constant 0 : i32
    %dma_wait3A_127 = tpu.memref_slice %arg2[%dma_wait3A_125, %dma_wait3A_126] : memref<100000x768xf32, #tpu.memory_space<hbm>> -> memref<32x768xf32, #tpu.memory_space<hbm>>
    %dma_wait3A_128 = arith.constant 0 : i32
    %dma_wait3A_129 = arith.constant 0 : i32
    %dma_wait3A_130 = tpu.memref_slice %arg2[%dma_wait3A_128, %dma_wait3A_129] : memref<100000x768xf32, #tpu.memory_space<hbm>> -> memref<32x768xf32, #tpu.memory_space<hbm>>
    tpu.wait_dma2 semaphore(%arg11 : memref<!tpu.dma_semaphore, #tpu.memory_space<semaphore_mem>>) src(%dma_wait3A_130 : memref<32x768xf32, #tpu.memory_space<hbm>>) dst(%arg7 : memref<32x768xf32, #tpu.memory_space<vmem>>)
    %add3A_131 = arith.constant 160 : i32
    %add3A_132 = arith.addi %mul3A_2, %add3A_131 : i32
    %dma_start3A_133 = arith.constant 0 : i32
    %dma_start3A_134 = tpu.memref_slice %arg4[%add3A_132, %dma_start3A_133] : memref<8192x768xf32, #tpu.memory_space<hbm>> -> memref<32x768xf32, #tpu.memory_space<hbm>>
    %dma_start3A_135 = arith.constant 0 : i32
    %dma_start3A_136 = tpu.memref_slice %arg4[%add3A_132, %dma_start3A_135] : memref<8192x768xf32, #tpu.memory_space<hbm>> -> memref<32x768xf32, #tpu.memory_space<hbm>>
    tpu.enqueue_dma source(%arg7 : memref<32x768xf32, #tpu.memory_space<vmem>>) target(%dma_start3A_136 : memref<32x768xf32, #tpu.memory_space<hbm>>) target_semaphore(%arg15 : memref<!tpu.dma_semaphore, #tpu.memory_space<semaphore_mem>>)
    %dma_wait3A_137 = arith.constant 0 : i32
    %dma_wait3A_138 = arith.constant 0 : i32
    %dma_wait3A_139 = tpu.memref_slice %arg2[%dma_wait3A_137, %dma_wait3A_138] : memref<100000x768xf32, #tpu.memory_space<hbm>> -> memref<32x768xf32, #tpu.memory_space<hbm>>
    %dma_wait3A_140 = arith.constant 0 : i32
    %dma_wait3A_141 = arith.constant 0 : i32
    %dma_wait3A_142 = tpu.memref_slice %arg2[%dma_wait3A_140, %dma_wait3A_141] : memref<100000x768xf32, #tpu.memory_space<hbm>> -> memref<32x768xf32, #tpu.memory_space<hbm>>
    tpu.wait_dma2 semaphore(%arg12 : memref<!tpu.dma_semaphore, #tpu.memory_space<semaphore_mem>>) src(%dma_wait3A_142 : memref<32x768xf32, #tpu.memory_space<hbm>>) dst(%arg8 : memref<32x768xf32, #tpu.memory_space<vmem>>)
    %add3A_143 = arith.constant 192 : i32
    %add3A_144 = arith.addi %mul3A_2, %add3A_143 : i32
    %dma_start3A_145 = arith.constant 0 : i32
    %dma_start3A_146 = tpu.memref_slice %arg4[%add3A_144, %dma_start3A_145] : memref<8192x768xf32, #tpu.memory_space<hbm>> -> memref<32x768xf32, #tpu.memory_space<hbm>>
    %dma_start3A_147 = arith.constant 0 : i32
    %dma_start3A_148 = tpu.memref_slice %arg4[%add3A_144, %dma_start3A_147] : memref<8192x768xf32, #tpu.memory_space<hbm>> -> memref<32x768xf32, #tpu.memory_space<hbm>>
    tpu.enqueue_dma source(%arg8 : memref<32x768xf32, #tpu.memory_space<vmem>>) target(%dma_start3A_148 : memref<32x768xf32, #tpu.memory_space<hbm>>) target_semaphore(%arg16 : memref<!tpu.dma_semaphore, #tpu.memory_space<semaphore_mem>>)
    %dma_wait3A_149 = arith.constant 0 : i32
    %dma_wait3A_150 = arith.constant 0 : i32
    %dma_wait3A_151 = tpu.memref_slice %arg2[%dma_wait3A_149, %dma_wait3A_150] : memref<100000x768xf32, #tpu.memory_space<hbm>> -> memref<32x768xf32, #tpu.memory_space<hbm>>
    %dma_wait3A_152 = arith.constant 0 : i32
    %dma_wait3A_153 = arith.constant 0 : i32
    %dma_wait3A_154 = tpu.memref_slice %arg2[%dma_wait3A_152, %dma_wait3A_153] : memref<100000x768xf32, #tpu.memory_space<hbm>> -> memref<32x768xf32, #tpu.memory_space<hbm>>
    tpu.wait_dma2 semaphore(%arg13 : memref<!tpu.dma_semaphore, #tpu.memory_space<semaphore_mem>>) src(%dma_wait3A_154 : memref<32x768xf32, #tpu.memory_space<hbm>>) dst(%arg9 : memref<32x768xf32, #tpu.memory_space<vmem>>)
    %add3A_155 = arith.constant 224 : i32
    %add3A_156 = arith.addi %mul3A_2, %add3A_155 : i32
    %dma_start3A_157 = arith.constant 0 : i32
    %dma_start3A_158 = tpu.memref_slice %arg4[%add3A_156, %dma_start3A_157] : memref<8192x768xf32, #tpu.memory_space<hbm>> -> memref<32x768xf32, #tpu.memory_space<hbm>>
    %dma_start3A_159 = arith.constant 0 : i32
    %dma_start3A_160 = tpu.memref_slice %arg4[%add3A_156, %dma_start3A_159] : memref<8192x768xf32, #tpu.memory_space<hbm>> -> memref<32x768xf32, #tpu.memory_space<hbm>>
    tpu.enqueue_dma source(%arg9 : memref<32x768xf32, #tpu.memory_space<vmem>>) target(%dma_start3A_160 : memref<32x768xf32, #tpu.memory_space<hbm>>) target_semaphore(%arg17 : memref<!tpu.dma_semaphore, #tpu.memory_space<semaphore_mem>>)
    %dma_wait3A_161 = arith.constant 0 : i32
    %dma_wait3A_162 = arith.constant 0 : i32
    %dma_wait3A_163 = tpu.memref_slice %arg4[%dma_wait3A_161, %dma_wait3A_162] : memref<8192x768xf32, #tpu.memory_space<hbm>> -> memref<32x768xf32, #tpu.memory_space<hbm>>
    %dma_wait3A_164 = arith.constant 0 : i32
    %dma_wait3A_165 = arith.constant 0 : i32
    %dma_wait3A_166 = tpu.memref_slice %arg4[%dma_wait3A_164, %dma_wait3A_165] : memref<8192x768xf32, #tpu.memory_space<hbm>> -> memref<32x768xf32, #tpu.memory_space<hbm>>
    tpu.wait_dma2 semaphore(%arg14 : memref<!tpu.dma_semaphore, #tpu.memory_space<semaphore_mem>>) src(%arg6 : memref<32x768xf32, #tpu.memory_space<vmem>>) dst(%dma_wait3A_166 : memref<32x768xf32, #tpu.memory_space<hbm>>)
    %dma_wait3A_167 = arith.constant 0 : i32
    %dma_wait3A_168 = arith.constant 0 : i32
    %dma_wait3A_169 = tpu.memref_slice %arg4[%dma_wait3A_167, %dma_wait3A_168] : memref<8192x768xf32, #tpu.memory_space<hbm>> -> memref<32x768xf32, #tpu.memory_space<hbm>>
    %dma_wait3A_170 = arith.constant 0 : i32
    %dma_wait3A_171 = arith.constant 0 : i32
    %dma_wait3A_172 = tpu.memref_slice %arg4[%dma_wait3A_170, %dma_wait3A_171] : memref<8192x768xf32, #tpu.memory_space<hbm>> -> memref<32x768xf32, #tpu.memory_space<hbm>>
    tpu.wait_dma2 semaphore(%arg15 : memref<!tpu.dma_semaphore, #tpu.memory_space<semaphore_mem>>) src(%arg7 : memref<32x768xf32, #tpu.memory_space<vmem>>) dst(%dma_wait3A_172 : memref<32x768xf32, #tpu.memory_space<hbm>>)
    %dma_wait3A_173 = arith.constant 0 : i32
    %dma_wait3A_174 = arith.constant 0 : i32
    %dma_wait3A_175 = tpu.memref_slice %arg4[%dma_wait3A_173, %dma_wait3A_174] : memref<8192x768xf32, #tpu.memory_space<hbm>> -> memref<32x768xf32, #tpu.memory_space<hbm>>
    %dma_wait3A_176 = arith.constant 0 : i32
    %dma_wait3A_177 = arith.constant 0 : i32
    %dma_wait3A_178 = tpu.memref_slice %arg4[%dma_wait3A_176, %dma_wait3A_177] : memref<8192x768xf32, #tpu.memory_space<hbm>> -> memref<32x768xf32, #tpu.memory_space<hbm>>
    tpu.wait_dma2 semaphore(%arg16 : memref<!tpu.dma_semaphore, #tpu.memory_space<semaphore_mem>>) src(%arg8 : memref<32x768xf32, #tpu.memory_space<vmem>>) dst(%dma_wait3A_178 : memref<32x768xf32, #tpu.memory_space<hbm>>)
    %dma_wait3A_179 = arith.constant 0 : i32
    %dma_wait3A_180 = arith.constant 0 : i32
    %dma_wait3A_181 = tpu.memref_slice %arg4[%dma_wait3A_179, %dma_wait3A_180] : memref<8192x768xf32, #tpu.memory_space<hbm>> -> memref<32x768xf32, #tpu.memory_space<hbm>>
    %dma_wait3A_182 = arith.constant 0 : i32
    %dma_wait3A_183 = arith.constant 0 : i32
    %dma_wait3A_184 = tpu.memref_slice %arg4[%dma_wait3A_182, %dma_wait3A_183] : memref<8192x768xf32, #tpu.memory_space<hbm>> -> memref<32x768xf32, #tpu.memory_space<hbm>>
    tpu.wait_dma2 semaphore(%arg17 : memref<!tpu.dma_semaphore, #tpu.memory_space<semaphore_mem>>) src(%arg9 : memref<32x768xf32, #tpu.memory_space<vmem>>) dst(%dma_wait3A_184 : memref<32x768xf32, #tpu.memory_space<hbm>>)
    return
  }
}

module attributes {stable_mosaic.version = 14 : i64} {
  func.func @_ln_body(%arg0: i32, %arg1: memref<2048x768xf32, #tpu.memory_space<vmem>>, %arg2: memref<2048x768xf32, #tpu.memory_space<vmem>>, %arg3: memref<1x768xf32, #tpu.memory_space<vmem>>, %arg4: memref<1x768xf32, #tpu.memory_space<vmem>>, %arg5: memref<2048x768xf32, #tpu.memory_space<vmem>>) attributes {dimension_semantics = [#tpu.dimension_semantics<arbitrary>], iteration_bounds = array<i64: 4>, scalar_prefetch = 0 : i64, scratch_operands = 0 : i64, tpu.core_type = #tpu.core_type<tc>, window_params = [{transform_indices = @transform_0, window_bounds = array<i64: 2048, 768>}, {pipeline_mode = #tpu.pipeline_mode<synchronous>, transform_indices = @transform_1, window_bounds = array<i64: 2048, 768>}, {pipeline_mode = #tpu.pipeline_mode<synchronous>, transform_indices = @transform_2, window_bounds = array<i64: 1, 768>}, {pipeline_mode = #tpu.pipeline_mode<synchronous>, transform_indices = @transform_3, window_bounds = array<i64: 1, 768>}, {transform_indices = @transform_4, window_bounds = array<i64: 2048, 768>}]} {
    %jit3A = arith.constant 1 : i32
    %eq3A = arith.constant 0 : i32
    %eq3A_0 = arith.cmpi eq, %jit3A, %eq3A : i32
    %jit3A_1 = arith.constant 1 : i32
    %select_n3A = arith.select %eq3A_0, %jit3A_1, %jit3A : i32
    %rem3A = arith.remsi %arg0, %select_n3A : i32
    %ne3A = arith.constant 0 : i32
    %ne3A_2 = arith.cmpi ne, %rem3A, %ne3A : i32
    %lt3A = arith.constant 0 : i32
    %lt3A_3 = arith.cmpi slt, %rem3A, %lt3A : i32
    %lt3A_4 = arith.constant 0 : i32
    %lt3A_5 = arith.cmpi slt, %select_n3A, %lt3A_4 : i32
    %ne3A_6 = arith.xori %lt3A_3, %lt3A_5 : i1
    %and3A = arith.andi %ne3A_6, %ne3A_2 : i1
    %add3A = arith.addi %rem3A, %select_n3A : i32
    %select_n3A_7 = arith.select %and3A, %add3A, %rem3A : i32
    %mul3A = arith.constant 2048 : i32
    %mul3A_8 = arith.muli %select_n3A_7, %mul3A : i32
    %get3A = arith.constant 0 : index
    %get3A_9 = arith.constant 0 : index
    %get3A_10 = vector.load %arg1[%get3A, %get3A_9] : memref<2048x768xf32, #tpu.memory_space<vmem>>, vector<2048x768xf32>
    %get3A_11 = arith.index_cast %mul3A_8 : i32 to index
    %get3A_12 = arith.constant 0 : index
    %get3A_13 = vector.load %arg2[%get3A_11, %get3A_12] : memref<2048x768xf32, #tpu.memory_space<vmem>>, vector<2048x768xf32>
    %add3A_14 = arith.addf %get3A_10, %get3A_13 : vector<2048x768xf32>
    %reduce_sum3A = arith.constant dense<0.000000e+00> : vector<2048xf32>
    %reduce_sum3A_15 = vector.multi_reduction <add>, %add3A_14, %reduce_sum3A [1] : vector<2048x768xf32> to vector<2048xf32>
    %broadcast_in_dim3A = vector.shape_cast %reduce_sum3A_15 : vector<2048xf32> to vector<2048x1xf32>
    %div3A = arith.constant 7.680000e+02 : f32
    %div3A_16 = vector.broadcast %div3A : f32 to vector<2048x1xf32>
    %div3A_17 = arith.divf %broadcast_in_dim3A, %div3A_16 : vector<2048x1xf32>
    %sub3A = vector.broadcast %div3A_17 : vector<2048x1xf32> to vector<2048x768xf32>
    %sub3A_18 = arith.subf %add3A_14, %sub3A : vector<2048x768xf32>
    %mul3A_19 = arith.mulf %sub3A_18, %sub3A_18 : vector<2048x768xf32>
    %reduce_sum3A_20 = arith.constant dense<0.000000e+00> : vector<2048xf32>
    %reduce_sum3A_21 = vector.multi_reduction <add>, %mul3A_19, %reduce_sum3A_20 [1] : vector<2048x768xf32> to vector<2048xf32>
    %broadcast_in_dim3A_22 = vector.shape_cast %reduce_sum3A_21 : vector<2048xf32> to vector<2048x1xf32>
    %div3A_23 = arith.constant 7.680000e+02 : f32
    %div3A_24 = vector.broadcast %div3A_23 : f32 to vector<2048x1xf32>
    %div3A_25 = arith.divf %broadcast_in_dim3A_22, %div3A_24 : vector<2048x1xf32>
    %add3A_26 = arith.constant 9.99999996E-13 : f32
    %add3A_27 = vector.broadcast %add3A_26 : f32 to vector<2048x1xf32>
    %add3A_28 = arith.addf %div3A_25, %add3A_27 : vector<2048x1xf32>
    %rsqrt3A = math.rsqrt %add3A_28 : vector<2048x1xf32>
    %mul3A_29 = vector.broadcast %rsqrt3A : vector<2048x1xf32> to vector<2048x768xf32>
    %mul3A_30 = arith.mulf %sub3A_18, %mul3A_29 : vector<2048x768xf32>
    %get3A_31 = arith.constant 0 : index
    %get3A_32 = arith.constant 0 : index
    %get3A_33 = vector.load %arg3[%get3A_31, %get3A_32] : memref<1x768xf32, #tpu.memory_space<vmem>>, vector<1x768xf32>
    %mul3A_34 = vector.broadcast %get3A_33 : vector<1x768xf32> to vector<2048x768xf32>
    %mul3A_35 = arith.mulf %mul3A_30, %mul3A_34 : vector<2048x768xf32>
    %get3A_36 = arith.constant 0 : index
    %get3A_37 = arith.constant 0 : index
    %get3A_38 = vector.load %arg4[%get3A_36, %get3A_37] : memref<1x768xf32, #tpu.memory_space<vmem>>, vector<1x768xf32>
    %add3A_39 = vector.broadcast %get3A_38 : vector<1x768xf32> to vector<2048x768xf32>
    %add3A_40 = arith.addf %mul3A_35, %add3A_39 : vector<2048x768xf32>
    %swap3A = arith.constant 0 : index
    %swap3A_41 = arith.constant 0 : index
    %swap3A_42 = vector.load %arg5[%swap3A, %swap3A_41] : memref<2048x768xf32, #tpu.memory_space<vmem>>, vector<2048x768xf32>
    tpu.vector_store %arg5[%swap3A, %swap3A_41], %add3A_40 {strides = array<i32>} : memref<2048x768xf32, #tpu.memory_space<vmem>>, vector<2048x768xf32>,
    return
  }
  func.func @transform_0(%arg0: i32) -> (i32, i32) {
    %c0_i32 = arith.constant 0 : i32
    %c0_i32_0 = arith.constant 0 : i32
    return %arg0, %c0_i32 : i32, i32
  }
  func.func @transform_1(%arg0: i32) -> (i32, i32) {
    %c0_i32 = arith.constant 0 : i32
    %c0_i32_0 = arith.constant 0 : i32
    %c0_i32_1 = arith.constant 0 : i32
    return %c0_i32, %c0_i32_0 : i32, i32
  }
  func.func @transform_2(%arg0: i32) -> (i32, i32) {
    %c0_i32 = arith.constant 0 : i32
    %c0_i32_0 = arith.constant 0 : i32
    %c0_i32_1 = arith.constant 0 : i32
    return %c0_i32, %c0_i32_0 : i32, i32
  }
  func.func @transform_3(%arg0: i32) -> (i32, i32) {
    %c0_i32 = arith.constant 0 : i32
    %c0_i32_0 = arith.constant 0 : i32
    %c0_i32_1 = arith.constant 0 : i32
    return %c0_i32, %c0_i32_0 : i32, i32
  }
  func.func @transform_4(%arg0: i32) -> (i32, i32) {
    %add3A = arith.constant 0 : i32
    %add3A_0 = arith.addi %add3A, %arg0 : i32
    %c0_i32 = arith.constant 0 : i32
    %c0_i32_1 = arith.constant 0 : i32
    return %add3A_0, %c0_i32 : i32, i32
  }
}

</mosaic_0001>

<sc_bundles>
// kernel: kernel.4.cloned.1.call-start
scs
__scs_entry_jumppad:
0x0: {  	(pc) =	sbr.rel $0x88, $3  }
0x1: {  	(tag) =	ssettag $0x0;
	lr =	simm.s32 $0x1  }
0x2: {  	[smem:$0x3F9C] =	sst lr;
	_ =	strace $0xD0000000  }
0x3: {  	_ = 	snop  }
0x4: {  	_ = 	snop  }
0x5: {  	_ = 	snop  }
0x6: {  	_ = 	snop  }
0x7: {  	_ = 	snop  }
__scs_overlays_trampoline_lowered:
0x8: {  	[smem:$0x3FAB] =	sst s0  }
0x9: {  	[smem:$0x3FAC] =	sst s1  }
0xa: {  	[smem:$0x3FAD] =	sst s2  }
0xb: {  	[smem:$0x3FAE] =	sst s3  }
0xc: {  	[smem:$0x3FAF] =	sst s4  }
0xd: {  	[smem:$0x3FB0] =	sst s5  }
0xe: {  	[smem:$0x3FB1] =	sst s6  }
0xf: {  	[smem:$0x3FB2] =	sst s7  }
0x10: {  	[smem:$0x3FB3] =	sst s8  }
0x11: {  	[smem:$0x3FB4] =	sst s9;
	s0 =	simm.s32 @!p0 $0x0  }
0x12: {  	s1 =	sld [smem:$0x3F9A];
	s0 =	simm.s32 @p0 $0x1  }
0x13: {  	[smem:$0x3FB5] =	sst s0;
	s0 =	simm.s32 @!p1 $0x0  }
0x14: {  	s2 =	sld [smem:$0x3F99];
	s0 =	simm.s32 @p1 $0x1  }
0x15: {  	[smem:$0x3FB6] =	sst s0;
	s0 =	simm.s32 @!p2 $0x0  }
0x16: {  	s3 =	sld [smem:$0x3FDB];
	s0 =	simm.s32 @p2 $0x1  }
0x17: {  	s4 =	simm.s32 $0x1BF5;
	[smem:$0x3FB8] =	sst s0  }
0x18: {  	s0 =	sld [smem:$0x3F9B];
	_ =	swait.ge [sflag:s4], $0x0  }
0x19: {  	s7 =	sld [smem:$0x3F9C]  }
0x1a: {  	s8 =	sadd.s32 $0xFFFFE003, lr  }
0x1b: {  	s9 =	sadd.s32 $0xFFFFFEF7, lr;
	s5 =	simm.s32 $0xFFFFFFFF;
	p2 =	slt.u32 s8, $0xFFFFF086  }
0x1c: {  	p1 =	slt.u32 s9, $0xF7A;
	s5 =	simm.s32 @!p2 $0x0  }
0x1d: {  	s5 =	simm.s32 @p1 $0x1;
	p0 =	seq.s32 s7, s2  }
0x1e: {  	s7 =	smul.u32 @!p0 $0xF7A, s2;
	p2 =	seq.s32 @!p0 s5, $0x0  }
0x1f: {  	s9 =	smul.u32 $0xF7A, s1;
	s8 =	simm.s32 @!p0 $0x1BF5;
	p2 =	por !p2, p0  }
0x20: {  	[sflag:s8] =	ssyncset.s32 @!p0 $0xFFFFF086;
	s6 =	sadd.s32 @!p0 s3, s7;
	s7 =	simm.s32 @!p0 $0x108  }
0x21: {  	s3 =	sadd.s32 s3, s9;
	s6 =	sadd.s32 @!p0 $0x88, s6;
	s7 =	simm.s32 @p2 $0x1082  }
0x22: {  	[simem:s7], [sflag:s8] =	dma.local @!p0 [hbm:s6], $0xF7A  }
0x23: {  	s9 =	sor.u32 $0xD0000000, s2;
	s6 =	simm.s32 $0x108;
	_ =	swait.ge @!p0 [sflag:s8], $0x0  }
0x24: {  	s3 =	sadd.s32 $0x88, s3;
	s6 =	simm.s32 @!p1 $0x1082;
	[sflag:s4] =	ssyncset.s32 $0xFFFFF086  }
0x25: {  	[simem:s6], [sflag:s4] =	dma.local [hbm:s3], $0xF7A  }
0x26: {  	[smem:$0x3F9C] =	sst s1;
	(tag) =	ssettag s2;
	_ =	strace s9  }
0x27: {  	s1 =	sld [smem:$0x3FAC]  }
0x28: {  	s2 =	sld [smem:$0x3FAD]  }
0x29: {  	s4 =	sld [smem:$0x3FAF]  }
0x2a: {  	p0 =	seq.s32 s5, $0x0;
	s5 =	sld [smem:$0x3FB0]  }
0x2b: {  	s6 =	sld [smem:$0x3FB1]  }
0x2c: {  	s7 =	sld [smem:$0x3FB2]  }
0x2d: {  	s3 =	simm.s32 $0x108;
	s8 =	sld [smem:$0x3FB3]  }
0x2e: {  	s3 =	simm.s32 @!p0 $0x1082;
	s9 =	sld [smem:$0x3FB4]  }
0x2f: {  	lr =	sadd.s32 s0, s3;
	s0 =	sld [smem:$0x3FAB]  }
0x30: {  	s3 =	sld [smem:$0x3FAE]  }
0x31: {  	[smem:$0x3FB7] =	sst s10  }
0x32: {  	s10 =	sld [smem:$0x3FB5];
	_ =	sdelay $0x3  }
0x33: {  	p0 =	seq.s32 s10, $0x1;
	s10 =	sld [smem:$0x3FB7];
	_ =	sdelay $0x3  }
0x34: {  	[smem:$0x3FB7] =	sst s10  }
0x35: {  	s10 =	sld [smem:$0x3FB6];
	_ =	sdelay $0x3  }
0x36: {  	p1 =	seq.s32 s10, $0x1;
	s10 =	sld [smem:$0x3FB7];
	_ =	sdelay $0x3  }
0x37: {  	[smem:$0x3FB7] =	sst s10  }
0x38: {  	s10 =	sld [smem:$0x3FB8]  }
0x39: {  	_ = 	snop;
	(pc) =	sbr.ind lr, $3  }
0x3a: {  	_ = 	snop  }
0x3b: {  	_ = 	snop  }
0x3c: {  	p2 =	seq.s32 s10, $0x1;
	s10 =	sld [smem:$0x3FB7]  }
0x3d: {  	_ =	shalt  }
0x3e: {  	_ =	shalt  }
0x3f: {  	_ =	shalt  }
0x40: {  	_ =	shalt  }
0x41: {  	_ =	shalt  }
0x42: {  	_ =	shalt  }
0x43: {  	_ =	shalt  }
0x44: {  	_ =	shalt  }
0x45: {  	_ =	shalt  }
0x46: {  	_ =	shalt  }
0x47: {  	_ =	shalt  }
0x48: {  	_ =	shalt  }
0x49: {  	_ =	shalt  }
0x4a: {  	_ =	shalt  }
0x4b: {  	_ =	shalt  }
0x4c: {  	_ =	shalt  }
0x4d: {  	_ =	shalt  }
0x4e: {  	_ =	shalt  }
0x4f: {  	_ =	shalt  }
0x50: {  	_ =	shalt  }
0x51: {  	_ =	shalt  }
0x52: {  	_ =	shalt  }
0x53: {  	_ =	shalt  }
0x54: {  	_ =	shalt  }
0x55: {  	_ =	shalt  }
0x56: {  	_ =	shalt  }
0x57: {  	_ =	shalt  }
0x58: {  	_ =	shalt  }
0x59: {  	_ =	shalt  }
0x5a: {  	_ =	shalt  }
0x5b: {  	_ =	shalt  }
0x5c: {  	_ =	shalt  }
0x5d: {  	_ =	shalt  }
0x5e: {  	_ =	shalt  }
0x5f: {  	_ =	shalt  }
0x60: {  	_ =	shalt  }
0x61: {  	_ =	shalt  }
0x62: {  	_ =	shalt  }
0x63: {  	_ =	shalt  }
0x64: {  	_ =	shalt  }
0x65: {  	_ =	shalt  }
0x66: {  	_ =	shalt  }
0x67: {  	_ =	shalt  }
0x68: {  	_ =	shalt  }
0x69: {  	_ =	shalt  }
0x6a: {  	_ =	shalt  }
0x6b: {  	_ =	shalt  }
0x6c: {  	_ =	shalt  }
0x6d: {  	_ =	shalt  }
0x6e: {  	_ =	shalt  }
0x6f: {  	_ =	shalt  }
0x70: {  	_ =	shalt  }
0x71: {  	_ =	shalt  }
0x72: {  	_ =	shalt  }
0x73: {  	_ =	shalt  }
0x74: {  	_ =	shalt  }
0x75: {  	_ =	shalt  }
0x76: {  	_ =	shalt  }
0x77: {  	_ =	shalt  }
0x78: {  	_ =	shalt  }
0x79: {  	_ =	shalt  }
0x7a: {  	_ =	shalt  }
0x7b: {  	_ =	shalt  }
0x7c: {  	_ =	shalt  }
0x7d: {  	_ =	shalt  }
0x7e: {  	_ =	shalt  }
0x7f: {  	_ =	shalt  }
0x80: {  	_ =	shalt  }
0x81: {  	_ =	shalt  }
0x82: {  	_ =	shalt  }
0x83: {  	_ =	shalt  }
0x84: {  	_ =	shalt  }
0x85: {  	_ =	shalt  }
0x86: {  	_ =	shalt  }
0x87: {  	_ =	shalt  }
.Lfunc_end0:
.L_simem_size_0:
called_computation_lowered:
.L_overlay_start_0:
0x88: {  	s2 =	sld [smem:$0x3FD9]  }
0x89: {  	s3 =	sld [smem:$0x3FFE];
	_ =	sdelay $0x1  }
0x8a: {  	s1 =	srdreg.scid  }
0x8b: {  	s0 =	sand.u32 $0x1, s1  }
0x8c: {  	s17 =	sshll.u32 s0, $0xA;
	s2 =	sadd.s32 s3, s2  }
0x8d: {  	s2 =	sadd.s32 s2, s17  }
0x8e: {  	[smem:$0x3FC3] =	sst s2  }
0x8f: {  	_ = 	snop  }
0x90: {  	s2 =	sld [smem:$0x3FC8]  }
0x91: {  	s18 =	sld [smem:$0x3FD0];
	(tm) =	ssettm $0x1  }
0x92: {  	s4 =	sld [smem:$0x3FFB];
	_ =	sdelay $0x3  }
0x93: {  	_ =	strace s4  }
0x94: {  	s4 =	sld [smem:$0x3FFC];
	_ =	sdelay $0x3  }
0x95: {  	_ =	strace s4  }
0x96: {  	s4 =	sld [smem:$0x3FFD];
	_ =	sdelay $0x3  }
0x97: {  	_ =	strace s4  }
0x98: {  	_ =	strace $0x8FFFFFFF  }
0x99: {  	s19 =	sld [smem:$0x3FDB];
	_ =	sdelay $0x1  }
0x9a: {  	s5 =	simm.s32 $_scs_section_size  }
0x9b: {  	s6 =	simm.s32 $_size__tile_overlayer_lowered;
	s7 =	simm.s32 $_tile_overlayer_lowered  }
0x9c: {  	s22 =	simm.s32 $0x1BFF;
	s21 =	sshll.u32 s7, $0x1;
	s4 =	sadd.s32 s5, s19  }
0x9d: {  	s8 =	simm.s32 $0x0;
	s20 =	sshll.u32 s6, $0x1;
	s6 =	sadd.s32 s21, s4  }
0x9e: {  	[timem:s8], [sflag:s22] =	dma.local [hbm:s6], s20  }
0x9f: {  	_ =	swait.ge [sflag:s22], s20  }
0xa0: {  	s5 =	ssub.s32 $0x0, s20;
	[sflag:s22] =	ssyncset.done $0x0  }
0xa1: {  	[sflag:s22] =	ssyncadd.s32 s5;
	_ =	sdelay $0x1  }
0xa2: {  	s23 =	simm.s32 $0x1B8B  }
0xa3: {  	_ =	swait.ge [sflag:s23], $0x1  }
0xa4: {  	[sflag:s23] =	ssyncset.done $0x0  }
0xa5: {  	s25 =	simm.s32 $0x1B8E;
	s24 =	sld [smem:$0x3FFE];
	[sflag:s23] =	ssyncadd.s32 $0xFFFFFFFF  }
0xa6: {  	s26 =	simm.s32 $execute0_lowered;
	[smem:$0x3FD2] =	sst s25  }
0xa7: {  	s6 =	sshll.u32 s26, $0x1;
	_ =	strace $0x80000046;
	[dreg:$0x1] =	wrdreg $0xFFFFFFFF  }
0xa8: {  	s28 =	simm.s32 $_size_execute0_lowered;
	s4 =	sadd.s32 s4, s6;
	[dreg:$0x0] =	wrdreg $0x0  }
0xa9: {  	s6 =	sshll.u32 s28, $0x1;
	[dreg:$0x2] =	wrdreg s4  }
0xaa: {  	[dreg:$0x3] =	wrdreg s6  }
0xab: {  	[dreg:$0x4] =	wrdreg $0xC0  }
0xac: {  	_ =	task [dreg:s8], $0x5FFFF  }
0xad: {  	[dreg:$0x1] =	wrdreg $0xFFFFFFFF  }
0xae: {  	[dreg:$0x0] =	wrdreg $0x60  }
0xaf: {  	[dreg:$0x2] =	wrdreg s2  }
0xb0: {  	[dreg:$0x3] =	wrdreg s18  }
0xb1: {  	[dreg:$0x4] =	wrdreg s24  }
0xb2: {  	[dreg:$0x5] =	wrdreg $0x9  }
0xb3: {  	_ =	task.clear_ibuf [dreg:s8], $0x6FFFF;
	_ =	strace $0x90000046  }
0xb4: {  	s29 =	simm.s32 $0x9;
	_ =	strace $0x80000048  }
0xb5: {  	_ =	swait.ge [sflag:s29], $0x1  }
0xb6: {  	[sflag:s29] =	ssyncadd.s32 $0xFFFFFFFF  }
0xb7: {  	_ =	strace $0x90000048  }
0xb8: {  	_ =	sfence  }
0xb9: {  	s30 =	sld [smem:$0x0];
	_ =	sdelay $0x2  }
0xba: {  	s31 =	sshll.u32 s1, $0xD;
	s1 =	sshrl.u32 s1, $0x2  }
0xbb: {  	s3 =	sand.u32 $0x4000, s31;
	s1 =	sadd.s32 s1, s30  }
0xbc: {  	s0 =	sor.u32 s3, s0;
	s1 =	sshll.u32 s1, $0x11  }
0xbd: {  	s0 =	sor.u32 s1, s0  }
0xbe: {  	s0 =	sadd.s32 $0x8F2B, s0  }
0xbf: {  	[sflag:s0] =	ssyncadd.remote.s32 $0x1  }
0xc0: {  	_ =	sfence.sel $0xFFFF  }
0xc1: {  	[dreg:$0x0] =	wrdreg $0xFFFFFFFF;
	(pc) =	sbr.abs _section_cstart, $3  }
0xc2: {  	[dreg:$0x1] =	wrdreg $0xFFFFFFFF  }
0xc3: {  	_ =	task.clear_ibuf [dreg:s8], $0x2FFFF;
	_ =	strace $0x9FFFFFFF  }
0xc4: {  	(tm) =	ssettm $0x7FFFFFFF  }
0xc5: {  	_ =	shalt  }
tec
execute0_lowered:
.L_overlay_start_1:
0x0: {  	(tag) =	ssettag $0x1  }
0x1: {  	s1 =	rddreg [dreg:$0x0]  }
0x2: {  	s0 =	srdreg.scid;
	s2 =	rddreg [dreg:$0x1]  }
0x3: {  	s4 =	stileid.u32;
	s5 =	rddreg [dreg:$0x2];
	s28 =	simm.s32 $0x3100  }
0x4: {  	s29 =	simm.s32 $0x3900;
	s30 =	simm.s32 $0x4100;
	s31 =	simm.s32 $0x4900  }
0x5: {  	s16 =	simm.s32 $0xB900;
	s17 =	simm.s32 $0xC100;
	s0 =	sand.u32 $0x1, s0  }
0x6: {  	s4 =	sshll.u32 s4, $0x5;
	s5 =	sadd.s32 $0xA00, s5;
	s3 =	sshll.u32 s0, $0x9  }
0x7: {  	s0 =	ssub.s32 $0x2, s0;
	s4 =	sor.u32 s4, s3;
	s3 =	simm.s32 $0x0  }
0x8: {  	s23 =	sshrl.u32 s0, $0x1;
	s6 =	smul.u32 $0x300, s4;
	[smem:$0x7FF] =	sst s3  }
0x9: {  	s7 =	smul.u32 $0x1800, s4;
	s2 =	sadd.s32 s2, s4;
	s0 =	ssub.s32 s0, s23  }
0xa: {  	s23 =	simm.s32 $0x1100;
	_ =	strace $0x80000047;
	[dreg:$0x4] =	wrdreg s2  }
0xb: {  	s10 =	smax.u32 s0, $0x1;
	s2 =	simm.s32 $0x5;
	s6 =	sadd.s32 s5, s6  }
0xc: {  	s19 =	sshrl.u32 s7, $0x3;
	s18 =	sadd.s32 $0xC00, s6;
	[dreg:$0xc] =	wrdreg s6  }
0xd: {  	s20 =	sadd.s32 $0x1800, s6;
	s4 =	sadd.s32 s5, s19;
	[dreg:$0x5] =	wrdreg s18  }
0xe: {  	s5 =	sadd.s32 $0x100, s1;
	[dreg:$0x6] =	wrdreg s20;
	s21 =	sadd.s32 $0x2400, s4  }
0xf: {  	s6 =	sadd.s32 $0x200, s1;
	s22 =	sadd.s32 $0x3000, s4;
	[dreg:$0x7] =	wrdreg s21  }
0x10: {  	s24 =	sadd.s32 $0x3C00, s4;
	s25 =	sadd.s32 $0x4800, s4;
	[dreg:$0x8] =	wrdreg s22  }
0x11: {  	s26 =	sadd.s32 $0x5400, s4;
	s20 =	simm.s32 $0x900;
	[dreg:$0x9] =	wrdreg s24  }
0x12: {  	v2 =	vlaneseq.u32;
	s18 =	simm.s32 $0xA900;
	s4 =	simm.s32 $0x12100;
	[dreg:$0xa] =	wrdreg s25  }
0x13: {  	vm0 =	vmmov $0xffff;
	v1 =	vshrl.u32 v2, $0x3;
	[dreg:$0xb] =	wrdreg s26;
	s24 =	simm.s32 $0x1900;
	s25 =	simm.s32 $0x2100  }
0x14: {  	v0 =	vand.u32 $0x7, v2;
	v2 =	vor.u32 $0x8, v2;
	v1 =	vmul.u32 $0x8, v1;
	s26 =	simm.s32 $0x2900;
	s22 =	simm.s32 $0x8100;
	s21 =	simm.s32 $0x9100  }
.LBB2_1:
0x15: {  	s19 =	rddreg [dreg:$0x4];
	s0 =	simm.s32 $0x9  }
0x16: {  	[tilespmem:s3], [sflag:$0x9] =	stream.linear.gather [hbm4b:s19+s3], $0x100, $0x38;
	[tilespmem:$0x18100] =	vst v63  }
0x17: {  	_ =	swait.ge [sflag:s0], $0x100  }
0x18: {  	[sflag:s0] =	ssyncset.done $0x0  }
0x19: {  	[sflag:s0] =	ssyncadd.s32 $0xFFFFFF00  }
0x1a: {  	v3 =	vld [tilespmem:$0x0];
	_ =	sdelay $0x4  }
0x1b: {  	v4 =	vshrl.u32 v3, $0x3  }
0x1c: {  	v4 =	vmul.u32 $0x30, v4  }
0x1d: {  	v3 =	vand.u32 $0x7, v3  }
0x1e: {  	v3 =	vor.u32 v3, v4  }
0x1f: {  	v4 =	vperm.xlane v3, v0;
	_ =	sdelay $0x1  }
0x20: {  	v4 =	vadd.s32 v1, v4;
	_ =	sdelay $0x3  }
0x21: {  	s12 =	simm.s32 $0x100;
	v3 =	vperm.xlane v3, v2  }
0x22: {  	[tilespmem:s12], [sflag:$0x1] =	stream.indirect_vreg.gather [hbm4b:s1+s3], $0x80, v4, vm0, $0xb8;
	[tilespmem:$0x18100] =	vst v63  }
0x23: {  	v3 =	vadd.s32 v1, v3  }
0x24: {  	[tilespmem:s20], [sflag:$0x1] =	stream.indirect_vreg.gather [hbm4b:s5+s3], $0x80, v4, vm0, $0xb8;
	[tilespmem:$0x18100] =	vst v63  }
0x25: {  	_ = 	snop  }
0x26: {  	[tilespmem:s23], [sflag:$0x1] =	stream.indirect_vreg.gather [hbm4b:s6+s3], $0x80, v4, vm0, $0xb8;
	[tilespmem:$0x18100] =	vst v63  }
0x27: {  	_ = 	snop  }
0x28: {  	[tilespmem:s24], [sflag:$0x1] =	stream.indirect_vreg.gather [hbm4b:s1+s3], $0x80, v3, vm0, $0xb8;
	[tilespmem:$0x18100] =	vst v63  }
0x29: {  	_ = 	snop  }
0x2a: {  	[tilespmem:s25], [sflag:$0x1] =	stream.indirect_vreg.gather [hbm4b:s5+s3], $0x80, v3, vm0, $0xb8;
	[tilespmem:$0x18100] =	vst v63  }
0x2b: {  	_ = 	snop  }
0x2c: {  	[tilespmem:s26], [sflag:$0x1] =	stream.indirect_vreg.gather [hbm4b:s6+s3], $0x80, v3, vm0, $0xb8;
	[tilespmem:$0x18100] =	vst v63  }
0x2d: {  	v3 =	vld [tilespmem:$0x10];
	_ =	sdelay $0x4  }
0x2e: {  	v49 =	vshrl.u32 v3, $0x3  }
0x2f: {  	v4 =	vmul.u32 $0x30, v49  }
0x30: {  	v3 =	vand.u32 $0x7, v3  }
0x31: {  	v3 =	vor.u32 v3, v4  }
0x32: {  	v4 =	vperm.xlane v3, v0;
	_ =	sdelay $0x1  }
0x33: {  	v4 =	vadd.s32 v1, v4;
	_ =	sdelay $0x3  }
0x34: {  	v3 =	vperm.xlane v3, v2  }
0x35: {  	[tilespmem:s28], [sflag:$0x1] =	stream.indirect_vreg.gather [hbm4b:s1+s3], $0x80, v4, vm0, $0xb8;
	[tilespmem:$0x18100] =	vst v63  }
0x36: {  	v3 =	vadd.s32 v1, v3  }
0x37: {  	[tilespmem:s29], [sflag:$0x1] =	stream.indirect_vreg.gather [hbm4b:s5+s3], $0x80, v4, vm0, $0xb8;
	[tilespmem:$0x18100] =	vst v63  }
0x38: {  	_ = 	snop  }
0x39: {  	[tilespmem:s30], [sflag:$0x1] =	stream.indirect_vreg.gather [hbm4b:s6+s3], $0x80, v4, vm0, $0xb8;
	[tilespmem:$0x18100] =	vst v63  }
0x3a: {  	_ = 	snop  }
0x3b: {  	[tilespmem:s31], [sflag:$0x1] =	stream.indirect_vreg.gather [hbm4b:s1+s3], $0x80, v3, vm0, $0xb8;
	[tilespmem:$0x18100] =	vst v63  }
0x3c: {  	s8 =	simm.s32 $0x5100  }
0x3d: {  	[tilespmem:s8], [sflag:$0x1] =	stream.indirect_vreg.gather [hbm4b:s5+s3], $0x80, v3, vm0, $0xb8;
	[tilespmem:$0x18100] =	vst v63  }
0x3e: {  	s9 =	simm.s32 $0x5900  }
0x3f: {  	[tilespmem:s9], [sflag:$0x1] =	stream.indirect_vreg.gather [hbm4b:s6+s3], $0x80, v3, vm0, $0xb8;
	[tilespmem:$0x18100] =	vst v63  }
0x40: {  	v3 =	vld [tilespmem:$0x20];
	_ =	sdelay $0x4  }
0x41: {  	v50 =	vshrl.u32 v3, $0x3  }
0x42: {  	v4 =	vmul.u32 $0x30, v50  }
0x43: {  	v3 =	vand.u32 $0x7, v3  }
0x44: {  	v3 =	vor.u32 v3, v4  }
0x45: {  	v4 =	vperm.xlane v3, v0;
	_ =	sdelay $0x1  }
0x46: {  	v4 =	vadd.s32 v1, v4;
	_ =	sdelay $0x3  }
0x47: {  	s13 =	simm.s32 $0x6100;
	v3 =	vperm.xlane v3, v2  }
0x48: {  	[tilespmem:s13], [sflag:$0x2] =	stream.indirect_vreg.gather [hbm4b:s1+s3], $0x80, v4, vm0, $0xb8;
	[tilespmem:$0x18100] =	vst v63  }
0x49: {  	s11 =	simm.s32 $0x6900;
	v3 =	vadd.s32 v1, v3  }
0x4a: {  	[tilespmem:s11], [sflag:$0x2] =	stream.indirect_vreg.gather [hbm4b:s5+s3], $0x80, v4, vm0, $0xb8;
	[tilespmem:$0x18100] =	vst v63  }
0x4b: {  	s14 =	simm.s32 $0x7100  }
0x4c: {  	[tilespmem:s14], [sflag:$0x2] =	stream.indirect_vreg.gather [hbm4b:s6+s3], $0x80, v4, vm0, $0xb8;
	[tilespmem:$0x18100] =	vst v63  }
0x4d: {  	s15 =	simm.s32 $0x7900  }
0x4e: {  	[tilespmem:s15], [sflag:$0x2] =	stream.indirect_vreg.gather [hbm4b:s1+s3], $0x80, v3, vm0, $0xb8;
	[tilespmem:$0x18100] =	vst v63  }
0x4f: {  	_ = 	snop  }
0x50: {  	[tilespmem:s22], [sflag:$0x2] =	stream.indirect_vreg.gather [hbm4b:s5+s3], $0x80, v3, vm0, $0xb8;
	[tilespmem:$0x18100] =	vst v63  }
0x51: {  	s12 =	simm.s32 $0x8900  }
0x52: {  	[tilespmem:s12], [sflag:$0x2] =	stream.indirect_vreg.gather [hbm4b:s6+s3], $0x80, v3, vm0, $0xb8;
	[tilespmem:$0x18100] =	vst v63  }
0x53: {  	v3 =	vld [tilespmem:$0x30];
	_ =	sdelay $0x4  }
0x54: {  	v51 =	vshrl.u32 v3, $0x3  }
0x55: {  	v4 =	vmul.u32 $0x30, v51  }
0x56: {  	v3 =	vand.u32 $0x7, v3  }
0x57: {  	v3 =	vor.u32 v3, v4  }
0x58: {  	v4 =	vperm.xlane v3, v0;
	_ =	sdelay $0x1  }
0x59: {  	v4 =	vadd.s32 v1, v4;
	_ =	sdelay $0x3  }
0x5a: {  	v3 =	vperm.xlane v3, v2  }
0x5b: {  	[tilespmem:s21], [sflag:$0x2] =	stream.indirect_vreg.gather [hbm4b:s1+s3], $0x80, v4, vm0, $0xb8;
	[tilespmem:$0x18100] =	vst v63  }
0x5c: {  	s13 =	simm.s32 $0x9900;
	v3 =	vadd.s32 v1, v3  }
0x5d: {  	[tilespmem:s13], [sflag:$0x2] =	stream.indirect_vreg.gather [hbm4b:s5+s3], $0x80, v4, vm0, $0xb8;
	[tilespmem:$0x18100] =	vst v63  }
0x5e: {  	s14 =	simm.s32 $0xA100  }
0x5f: {  	[tilespmem:s14], [sflag:$0x2] =	stream.indirect_vreg.gather [hbm4b:s6+s3], $0x80, v4, vm0, $0xb8;
	[tilespmem:$0x18100] =	vst v63  }
0x60: {  	_ = 	snop  }
0x61: {  	[tilespmem:s18], [sflag:$0x2] =	stream.indirect_vreg.gather [hbm4b:s1+s3], $0x80, v3, vm0, $0xb8;
	[tilespmem:$0x18100] =	vst v63  }
0x62: {  	s15 =	simm.s32 $0xB100  }
0x63: {  	[tilespmem:s15], [sflag:$0x2] =	stream.indirect_vreg.gather [hbm4b:s5+s3], $0x80, v3, vm0, $0xb8;
	[tilespmem:$0x18100] =	vst v63  }
0x64: {  	_ = 	snop  }
0x65: {  	[tilespmem:s16], [sflag:$0x2] =	stream.indirect_vreg.gather [hbm4b:s6+s3], $0x80, v3, vm0, $0xb8;
	[tilespmem:$0x18100] =	vst v63  }
0x66: {  	v3 =	vld [tilespmem:$0x40];
	_ =	sdelay $0x4  }
0x67: {  	v52 =	vshrl.u32 v3, $0x3  }
0x68: {  	v4 =	vmul.u32 $0x30, v52  }
0x69: {  	v3 =	vand.u32 $0x7, v3  }
0x6a: {  	v3 =	vor.u32 v3, v4  }
0x6b: {  	v4 =	vperm.xlane v3, v0;
	_ =	sdelay $0x1  }
0x6c: {  	v4 =	vadd.s32 v1, v4;
	_ =	sdelay $0x3  }
0x6d: {  	v3 =	vperm.xlane v3, v2  }
0x6e: {  	[tilespmem:s17], [sflag:$0x3] =	stream.indirect_vreg.gather [hbm4b:s1+s3], $0x80, v4, vm0, $0xb8;
	[tilespmem:$0x18100] =	vst v63  }
0x6f: {  	s19 =	simm.s32 $0xC900;
	v3 =	vadd.s32 v1, v3  }
0x70: {  	[tilespmem:s19], [sflag:$0x3] =	stream.indirect_vreg.gather [hbm4b:s5+s3], $0x80, v4, vm0, $0xb8;
	[tilespmem:$0x18100] =	vst v63  }
0x71: {  	s7 =	simm.s32 $0xD100  }
0x72: {  	[tilespmem:s7], [sflag:$0x3] =	stream.indirect_vreg.gather [hbm4b:s6+s3], $0x80, v4, vm0, $0xb8;
	[tilespmem:$0x18100] =	vst v63  }
0x73: {  	s19 =	simm.s32 $0xD900  }
0x74: {  	[tilespmem:s19], [sflag:$0x3] =	stream.indirect_vreg.gather [hbm4b:s1+s3], $0x80, v3, vm0, $0xb8;
	[tilespmem:$0x18100] =	vst v63  }
0x75: {  	s7 =	simm.s32 $0xE100  }
0x76: {  	[tilespmem:s7], [sflag:$0x3] =	stream.indirect_vreg.gather [hbm4b:s5+s3], $0x80, v3, vm0, $0xb8;
	[tilespmem:$0x18100] =	vst v63  }
0x77: {  	s19 =	simm.s32 $0xE900  }
0x78: {  	[tilespmem:s19], [sflag:$0x3] =	stream.indirect_vreg.gather [hbm4b:s6+s3], $0x80, v3, vm0, $0xb8;
	[tilespmem:$0x18100] =	vst v63  }
0x79: {  	v3 =	vld [tilespmem:$0x50];
	_ =	sdelay $0x4  }
0x7a: {  	v53 =	vshrl.u32 v3, $0x3  }
0x7b: {  	v4 =	vmul.u32 $0x30, v53  }
0x7c: {  	v3 =	vand.u32 $0x7, v3  }
0x7d: {  	v3 =	vor.u32 v3, v4  }
0x7e: {  	v4 =	vperm.xlane v3, v0;
	_ =	sdelay $0x1  }
0x7f: {  	v4 =	vadd.s32 v1, v4;
	_ =	sdelay $0x3  }
0x80: {  	s7 =	simm.s32 $0xF100;
	v3 =	vperm.xlane v3, v2  }
0x81: {  	[tilespmem:s7], [sflag:$0x3] =	stream.indirect_vreg.gather [hbm4b:s1+s3], $0x80, v4, vm0, $0xb8;
	[tilespmem:$0x18100] =	vst v63  }
0x82: {  	s19 =	simm.s32 $0xF900;
	v3 =	vadd.s32 v1, v3  }
0x83: {  	[tilespmem:s19], [sflag:$0x3] =	stream.indirect_vreg.gather [hbm4b:s5+s3], $0x80, v4, vm0, $0xb8;
	[tilespmem:$0x18100] =	vst v63  }
0x84: {  	s7 =	simm.s32 $0x10100  }
0x85: {  	[tilespmem:s7], [sflag:$0x3] =	stream.indirect_vreg.gather [hbm4b:s6+s3], $0x80, v4, vm0, $0xb8;
	[tilespmem:$0x18100] =	vst v63  }
0x86: {  	s19 =	simm.s32 $0x10900  }
0x87: {  	[tilespmem:s19], [sflag:$0x3] =	stream.indirect_vreg.gather [hbm4b:s1+s3], $0x80, v3, vm0, $0xb8;
	[tilespmem:$0x18100] =	vst v63  }
0x88: {  	s7 =	simm.s32 $0x11100  }
0x89: {  	[tilespmem:s7], [sflag:$0x3] =	stream.indirect_vreg.gather [hbm4b:s5+s3], $0x80, v3, vm0, $0xb8;
	[tilespmem:$0x18100] =	vst v63  }
0x8a: {  	s19 =	simm.s32 $0x11900  }
0x8b: {  	[tilespmem:s19], [sflag:$0x3] =	stream.indirect_vreg.gather [hbm4b:s6+s3], $0x80, v3, vm0, $0xb8;
	[tilespmem:$0x18100] =	vst v63  }
0x8c: {  	v3 =	vld [tilespmem:$0x60];
	_ =	sdelay $0x4  }
0x8d: {  	v54 =	vshrl.u32 v3, $0x3  }
0x8e: {  	v4 =	vmul.u32 $0x30, v54  }
0x8f: {  	v3 =	vand.u32 $0x7, v3  }
0x90: {  	v3 =	vor.u32 v3, v4  }
0x91: {  	v4 =	vperm.xlane v3, v0;
	_ =	sdelay $0x1  }
0x92: {  	v4 =	vadd.s32 v1, v4;
	_ =	sdelay $0x3  }
0x93: {  	v3 =	vperm.xlane v3, v2  }
0x94: {  	[tilespmem:s4], [sflag:$0x4] =	stream.indirect_vreg.gather [hbm4b:s1+s3], $0x80, v4, vm0, $0xb8;
	[tilespmem:$0x18100] =	vst v63  }
0x95: {  	s7 =	simm.s32 $0x12900;
	v3 =	vadd.s32 v1, v3  }
0x96: {  	[tilespmem:s7], [sflag:$0x4] =	stream.indirect_vreg.gather [hbm4b:s5+s3], $0x80, v4, vm0, $0xb8;
	[tilespmem:$0x18100] =	vst v63  }
0x97: {  	s19 =	simm.s32 $0x13100  }
0x98: {  	[tilespmem:s19], [sflag:$0x4] =	stream.indirect_vreg.gather [hbm4b:s6+s3], $0x80, v4, vm0, $0xb8;
	[tilespmem:$0x18100] =	vst v63  }
0x99: {  	s7 =	simm.s32 $0x13900  }
0x9a: {  	[tilespmem:s7], [sflag:$0x4] =	stream.indirect_vreg.gather [hbm4b:s1+s3], $0x80, v3, vm0, $0xb8;
	[tilespmem:$0x18100] =	vst v63  }
0x9b: {  	s19 =	simm.s32 $0x14100  }
0x9c: {  	[tilespmem:s19], [sflag:$0x4] =	stream.indirect_vreg.gather [hbm4b:s5+s3], $0x80, v3, vm0, $0xb8;
	[tilespmem:$0x18100] =	vst v63  }
0x9d: {  	s7 =	simm.s32 $0x14900  }
0x9e: {  	[tilespmem:s7], [sflag:$0x4] =	stream.indirect_vreg.gather [hbm4b:s6+s3], $0x80, v3, vm0, $0xb8;
	[tilespmem:$0x18100] =	vst v63  }
0x9f: {  	v3 =	vld [tilespmem:$0x70];
	_ =	sdelay $0x4  }
0xa0: {  	v55 =	vshrl.u32 v3, $0x3  }
0xa1: {  	v4 =	vmul.u32 $0x30, v55  }
0xa2: {  	v3 =	vand.u32 $0x7, v3  }
0xa3: {  	v3 =	vor.u32 v3, v4  }
0xa4: {  	v4 =	vperm.xlane v3, v0;
	_ =	sdelay $0x1  }
0xa5: {  	v4 =	vadd.s32 v1, v4;
	_ =	sdelay $0x3  }
0xa6: {  	s19 =	simm.s32 $0x15100;
	v3 =	vperm.xlane v3, v2  }
0xa7: {  	[tilespmem:s19], [sflag:$0x4] =	stream.indirect_vreg.gather [hbm4b:s1+s3], $0x80, v4, vm0, $0xb8;
	[tilespmem:$0x18100] =	vst v63  }
0xa8: {  	s7 =	simm.s32 $0x15900;
	v3 =	vadd.s32 v1, v3  }
0xa9: {  	[tilespmem:s7], [sflag:$0x4] =	stream.indirect_vreg.gather [hbm4b:s5+s3], $0x80, v4, vm0, $0xb8;
	[tilespmem:$0x18100] =	vst v63  }
0xaa: {  	s19 =	simm.s32 $0x16100  }
0xab: {  	[tilespmem:s19], [sflag:$0x4] =	stream.indirect_vreg.gather [hbm4b:s6+s3], $0x80, v4, vm0, $0xb8;
	[tilespmem:$0x18100] =	vst v63  }
0xac: {  	s7 =	simm.s32 $0x16900  }
0xad: {  	[tilespmem:s7], [sflag:$0x4] =	stream.indirect_vreg.gather [hbm4b:s1+s3], $0x80, v3, vm0, $0xb8;
	[tilespmem:$0x18100] =	vst v63  }
0xae: {  	s19 =	simm.s32 $0x17100  }
0xaf: {  	[tilespmem:s19], [sflag:$0x4] =	stream.indirect_vreg.gather [hbm4b:s5+s3], $0x80, v3, vm0, $0xb8;
	[tilespmem:$0x18100] =	vst v63  }
0xb0: {  	s0 =	simm.s32 $0x1;
	s7 =	simm.s32 $0x17900  }
0xb1: {  	[tilespmem:s7], [sflag:$0x4] =	stream.indirect_vreg.gather [hbm4b:s6+s3], $0x80, v3, vm0, $0xb8;
	[tilespmem:$0x18100] =	vst v63  }
0xb2: {  	_ =	swait.ge [sflag:s0], $0x6000  }
0xb3: {  	[sflag:s0] =	ssyncset.done $0x0  }
0xb4: {  	s7 =	simm.s32 $0x100;
	s19 =	rddreg [dreg:$0xc];
	[sflag:s0] =	ssyncadd.s32 $0xFFFFA000  }
0xb5: {  	[hbm4b:s19+s3] =	stream.linear.scatter [tilespmem:s7], [sflag:$0x5], $0x6000, $0x38;
	[tilespmem:$0x18100] =	vst v63  }
0xb6: {  	_ =	swait.ge [sflag:s2], $0x6000  }
0xb7: {  	[sflag:s2] =	ssyncset.done $0x0  }
0xb8: {  	[sflag:s2] =	ssyncadd.s32 $0xFFFFA000  }
0xb9: {  	v3 =	vld [tilespmem:$0x80];
	_ =	sdelay $0x4  }
0xba: {  	v56 =	vshrl.u32 v3, $0x3  }
0xbb: {  	v4 =	vmul.u32 $0x30, v56  }
0xbc: {  	v3 =	vand.u32 $0x7, v3  }
0xbd: {  	v3 =	vor.u32 v3, v4  }
0xbe: {  	v4 =	vperm.xlane v3, v0;
	_ =	sdelay $0x1  }
0xbf: {  	v4 =	vadd.s32 v1, v4;
	_ =	sdelay $0x3  }
0xc0: {  	v3 =	vperm.xlane v3, v2  }
0xc1: {  	[tilespmem:s7], [sflag:$0x1] =	stream.indirect_vreg.gather [hbm4b:s1+s3], $0x80, v4, vm0, $0xb8;
	[tilespmem:$0x18100] =	vst v63  }
0xc2: {  	v3 =	vadd.s32 v1, v3  }
0xc3: {  	[tilespmem:s20], [sflag:$0x1] =	stream.indirect_vreg.gather [hbm4b:s5+s3], $0x80, v4, vm0, $0xb8;
	[tilespmem:$0x18100] =	vst v63  }
0xc4: {  	_ = 	snop  }
0xc5: {  	[tilespmem:s23], [sflag:$0x1] =	stream.indirect_vreg.gather [hbm4b:s6+s3], $0x80, v4, vm0, $0xb8;
	[tilespmem:$0x18100] =	vst v63  }
0xc6: {  	_ = 	snop  }
0xc7: {  	[tilespmem:s24], [sflag:$0x1] =	stream.indirect_vreg.gather [hbm4b:s1+s3], $0x80, v3, vm0, $0xb8;
	[tilespmem:$0x18100] =	vst v63  }
0xc8: {  	_ = 	snop  }
0xc9: {  	[tilespmem:s25], [sflag:$0x1] =	stream.indirect_vreg.gather [hbm4b:s5+s3], $0x80, v3, vm0, $0xb8;
	[tilespmem:$0x18100] =	vst v63  }
0xca: {  	_ = 	snop  }
0xcb: {  	[tilespmem:s26], [sflag:$0x1] =	stream.indirect_vreg.gather [hbm4b:s6+s3], $0x80, v3, vm0, $0xb8;
	[tilespmem:$0x18100] =	vst v63  }
0xcc: {  	v3 =	vld [tilespmem:$0x90];
	_ =	sdelay $0x4  }
0xcd: {  	v57 =	vshrl.u32 v3, $0x3  }
0xce: {  	v4 =	vmul.u32 $0x30, v57  }
0xcf: {  	v3 =	vand.u32 $0x7, v3  }
0xd0: {  	v3 =	vor.u32 v3, v4  }
0xd1: {  	v4 =	vperm.xlane v3, v0;
	_ =	sdelay $0x1  }
0xd2: {  	v4 =	vadd.s32 v1, v4;
	_ =	sdelay $0x3  }
0xd3: {  	v3 =	vperm.xlane v3, v2  }
0xd4: {  	[tilespmem:s28], [sflag:$0x1] =	stream.indirect_vreg.gather [hbm4b:s1+s3], $0x80, v4, vm0, $0xb8;
	[tilespmem:$0x18100] =	vst v63  }
0xd5: {  	v3 =	vadd.s32 v1, v3  }
0xd6: {  	[tilespmem:s29], [sflag:$0x1] =	stream.indirect_vreg.gather [hbm4b:s5+s3], $0x80, v4, vm0, $0xb8;
	[tilespmem:$0x18100] =	vst v63  }
0xd7: {  	_ = 	snop  }
0xd8: {  	[tilespmem:s30], [sflag:$0x1] =	stream.indirect_vreg.gather [hbm4b:s6+s3], $0x80, v4, vm0, $0xb8;
	[tilespmem:$0x18100] =	vst v63  }
0xd9: {  	_ = 	snop  }
0xda: {  	[tilespmem:s31], [sflag:$0x1] =	stream.indirect_vreg.gather [hbm4b:s1+s3], $0x80, v3, vm0, $0xb8;
	[tilespmem:$0x18100] =	vst v63  }
0xdb: {  	_ = 	snop  }
0xdc: {  	[tilespmem:s8], [sflag:$0x1] =	stream.indirect_vreg.gather [hbm4b:s5+s3], $0x80, v3, vm0, $0xb8;
	[tilespmem:$0x18100] =	vst v63  }
0xdd: {  	s8 =	simm.s32 $0x2  }
0xde: {  	[tilespmem:s9], [sflag:$0x1] =	stream.indirect_vreg.gather [hbm4b:s6+s3], $0x80, v3, vm0, $0xb8;
	[tilespmem:$0x18100] =	vst v63  }
0xdf: {  	_ =	swait.ge [sflag:s8], $0x6000  }
0xe0: {  	[sflag:s8] =	ssyncset.done $0x0  }
0xe1: {  	s7 =	simm.s32 $0x6100;
	s9 =	rddreg [dreg:$0x5];
	[sflag:s8] =	ssyncadd.s32 $0xFFFFA000  }
0xe2: {  	[hbm4b:s9+s3] =	stream.linear.scatter [tilespmem:s7], [sflag:$0x6], $0x6000, $0x38;
	[tilespmem:$0x18100] =	vst v63  }
0xe3: {  	s9 =	simm.s32 $0x6  }
0xe4: {  	_ =	swait.ge [sflag:s9], $0x6000  }
0xe5: {  	[sflag:s9] =	ssyncset.done $0x0  }
0xe6: {  	[sflag:s9] =	ssyncadd.s32 $0xFFFFA000  }
0xe7: {  	v3 =	vld [tilespmem:$0xA0];
	_ =	sdelay $0x4  }
0xe8: {  	v58 =	vshrl.u32 v3, $0x3  }
0xe9: {  	v4 =	vmul.u32 $0x30, v58  }
0xea: {  	v3 =	vand.u32 $0x7, v3  }
0xeb: {  	v3 =	vor.u32 v3, v4  }
0xec: {  	v4 =	vperm.xlane v3, v0;
	_ =	sdelay $0x1  }
0xed: {  	v4 =	vadd.s32 v1, v4;
	_ =	sdelay $0x3  }
0xee: {  	v3 =	vperm.xlane v3, v2  }
0xef: {  	[tilespmem:s7], [sflag:$0x2] =	stream.indirect_vreg.gather [hbm4b:s1+s3], $0x80, v4, vm0, $0xb8;
	[tilespmem:$0x18100] =	vst v63  }
0xf0: {  	v3 =	vadd.s32 v1, v3  }
0xf1: {  	[tilespmem:s11], [sflag:$0x2] =	stream.indirect_vreg.gather [hbm4b:s5+s3], $0x80, v4, vm0, $0xb8;
	[tilespmem:$0x18100] =	vst v63  }
0xf2: {  	s19 =	simm.s32 $0x7100  }
0xf3: {  	[tilespmem:s19], [sflag:$0x2] =	stream.indirect_vreg.gather [hbm4b:s6+s3], $0x80, v4, vm0, $0xb8;
	[tilespmem:$0x18100] =	vst v63  }
0xf4: {  	s19 =	simm.s32 $0x7900  }
0xf5: {  	[tilespmem:s19], [sflag:$0x2] =	stream.indirect_vreg.gather [hbm4b:s1+s3], $0x80, v3, vm0, $0xb8;
	[tilespmem:$0x18100] =	vst v63  }
0xf6: {  	_ = 	snop  }
0xf7: {  	[tilespmem:s22], [sflag:$0x2] =	stream.indirect_vreg.gather [hbm4b:s5+s3], $0x80, v3, vm0, $0xb8;
	[tilespmem:$0x18100] =	vst v63  }
0xf8: {  	_ = 	snop  }
0xf9: {  	[tilespmem:s12], [sflag:$0x2] =	stream.indirect_vreg.gather [hbm4b:s6+s3], $0x80, v3, vm0, $0xb8;
	[tilespmem:$0x18100] =	vst v63  }
0xfa: {  	v3 =	vld [tilespmem:$0xB0];
	_ =	sdelay $0x4  }
0xfb: {  	v59 =	vshrl.u32 v3, $0x3  }
0xfc: {  	v4 =	vmul.u32 $0x30, v59  }
0xfd: {  	v3 =	vand.u32 $0x7, v3  }
0xfe: {  	v3 =	vor.u32 v3, v4  }
0xff: {  	v4 =	vperm.xlane v3, v0;
	_ =	sdelay $0x1  }
0x100: {  	v4 =	vadd.s32 v1, v4;
	_ =	sdelay $0x3  }
0x101: {  	v3 =	vperm.xlane v3, v2  }
0x102: {  	[tilespmem:s21], [sflag:$0x2] =	stream.indirect_vreg.gather [hbm4b:s1+s3], $0x80, v4, vm0, $0xb8;
	[tilespmem:$0x18100] =	vst v63  }
0x103: {  	v3 =	vadd.s32 v1, v3  }
0x104: {  	[tilespmem:s13], [sflag:$0x2] =	stream.indirect_vreg.gather [hbm4b:s5+s3], $0x80, v4, vm0, $0xb8;
	[tilespmem:$0x18100] =	vst v63  }
0x105: {  	_ = 	snop  }
0x106: {  	[tilespmem:s14], [sflag:$0x2] =	stream.indirect_vreg.gather [hbm4b:s6+s3], $0x80, v4, vm0, $0xb8;
	[tilespmem:$0x18100] =	vst v63  }
0x107: {  	_ = 	snop  }
0x108: {  	[tilespmem:s18], [sflag:$0x2] =	stream.indirect_vreg.gather [hbm4b:s1+s3], $0x80, v3, vm0, $0xb8;
	[tilespmem:$0x18100] =	vst v63  }
0x109: {  	_ = 	snop  }
0x10a: {  	[tilespmem:s15], [sflag:$0x2] =	stream.indirect_vreg.gather [hbm4b:s5+s3], $0x80, v3, vm0, $0xb8;
	[tilespmem:$0x18100] =	vst v63  }
0x10b: {  	s11 =	simm.s32 $0x3  }
0x10c: {  	[tilespmem:s16], [sflag:$0x2] =	stream.indirect_vreg.gather [hbm4b:s6+s3], $0x80, v3, vm0, $0xb8;
	[tilespmem:$0x18100] =	vst v63  }
0x10d: {  	_ =	swait.ge [sflag:s11], $0x6000  }
0x10e: {  	[sflag:s11] =	ssyncset.done $0x0  }
0x10f: {  	s12 =	simm.s32 $0x7;
	s15 =	rddreg [dreg:$0x6];
	[sflag:s11] =	ssyncadd.s32 $0xFFFFA000  }
0x110: {  	[hbm4b:s15+s3] =	stream.linear.scatter [tilespmem:s17], [sflag:$0x7], $0x6000, $0x38;
	[tilespmem:$0x18100] =	vst v63  }
0x111: {  	_ =	swait.ge [sflag:s12], $0x6000  }
0x112: {  	[sflag:s12] =	ssyncset.done $0x0  }
0x113: {  	[sflag:s12] =	ssyncadd.s32 $0xFFFFA000  }
0x114: {  	v3 =	vld [tilespmem:$0xC0];
	_ =	sdelay $0x4  }
0x115: {  	v60 =	vshrl.u32 v3, $0x3  }
0x116: {  	v4 =	vmul.u32 $0x30, v60  }
0x117: {  	v3 =	vand.u32 $0x7, v3  }
0x118: {  	v3 =	vor.u32 v3, v4  }
0x119: {  	v4 =	vperm.xlane v3, v0;
	_ =	sdelay $0x1  }
0x11a: {  	v4 =	vadd.s32 v1, v4;
	_ =	sdelay $0x3  }
0x11b: {  	v3 =	vperm.xlane v3, v2  }
0x11c: {  	[tilespmem:s17], [sflag:$0x3] =	stream.indirect_vreg.gather [hbm4b:s1+s3], $0x80, v4, vm0, $0xb8;
	[tilespmem:$0x18100] =	vst v63  }
0x11d: {  	s19 =	simm.s32 $0xC900;
	v3 =	vadd.s32 v1, v3  }
0x11e: {  	[tilespmem:s19], [sflag:$0x3] =	stream.indirect_vreg.gather [hbm4b:s5+s3], $0x80, v4, vm0, $0xb8;
	[tilespmem:$0x18100] =	vst v63  }
0x11f: {  	s14 =	simm.s32 $0xD100  }
0x120: {  	[tilespmem:s14], [sflag:$0x3] =	stream.indirect_vreg.gather [hbm4b:s6+s3], $0x80, v4, vm0, $0xb8;
	[tilespmem:$0x18100] =	vst v63  }
0x121: {  	s15 =	simm.s32 $0xD900  }
0x122: {  	[tilespmem:s15], [sflag:$0x3] =	stream.indirect_vreg.gather [hbm4b:s1+s3], $0x80, v3, vm0, $0xb8;
	[tilespmem:$0x18100] =	vst v63  }
0x123: {  	s19 =	simm.s32 $0xE100  }
0x124: {  	[tilespmem:s19], [sflag:$0x3] =	stream.indirect_vreg.gather [hbm4b:s5+s3], $0x80, v3, vm0, $0xb8;
	[tilespmem:$0x18100] =	vst v63  }
0x125: {  	s14 =	simm.s32 $0xE900  }
0x126: {  	[tilespmem:s14], [sflag:$0x3] =	stream.indirect_vreg.gather [hbm4b:s6+s3], $0x80, v3, vm0, $0xb8;
	[tilespmem:$0x18100] =	vst v63  }
0x127: {  	v3 =	vld [tilespmem:$0xD0];
	_ =	sdelay $0x4  }
0x128: {  	v61 =	vshrl.u32 v3, $0x3  }
0x129: {  	v4 =	vmul.u32 $0x30, v61  }
0x12a: {  	v3 =	vand.u32 $0x7, v3  }
0x12b: {  	v3 =	vor.u32 v3, v4  }
0x12c: {  	v4 =	vperm.xlane v3, v0;
	_ =	sdelay $0x1  }
0x12d: {  	v4 =	vadd.s32 v1, v4;
	_ =	sdelay $0x3  }
0x12e: {  	s15 =	simm.s32 $0xF100;
	v3 =	vperm.xlane v3, v2  }
0x12f: {  	[tilespmem:s15], [sflag:$0x3] =	stream.indirect_vreg.gather [hbm4b:s1+s3], $0x80, v4, vm0, $0xb8;
	[tilespmem:$0x18100] =	vst v63  }
0x130: {  	s19 =	simm.s32 $0xF900;
	v3 =	vadd.s32 v1, v3  }
0x131: {  	[tilespmem:s19], [sflag:$0x3] =	stream.indirect_vreg.gather [hbm4b:s5+s3], $0x80, v4, vm0, $0xb8;
	[tilespmem:$0x18100] =	vst v63  }
0x132: {  	s14 =	simm.s32 $0x10100  }
0x133: {  	[tilespmem:s14], [sflag:$0x3] =	stream.indirect_vreg.gather [hbm4b:s6+s3], $0x80, v4, vm0, $0xb8;
	[tilespmem:$0x18100] =	vst v63  }
0x134: {  	s15 =	simm.s32 $0x10900  }
0x135: {  	[tilespmem:s15], [sflag:$0x3] =	stream.indirect_vreg.gather [hbm4b:s1+s3], $0x80, v3, vm0, $0xb8;
	[tilespmem:$0x18100] =	vst v63  }
0x136: {  	s19 =	simm.s32 $0x11100  }
0x137: {  	[tilespmem:s19], [sflag:$0x3] =	stream.indirect_vreg.gather [hbm4b:s5+s3], $0x80, v3, vm0, $0xb8;
	[tilespmem:$0x18100] =	vst v63  }
0x138: {  	s13 =	simm.s32 $0x4;
	s14 =	simm.s32 $0x11900  }
0x139: {  	[tilespmem:s14], [sflag:$0x3] =	stream.indirect_vreg.gather [hbm4b:s6+s3], $0x80, v3, vm0, $0xb8;
	[tilespmem:$0x18100] =	vst v63  }
0x13a: {  	_ =	swait.ge [sflag:s13], $0x6000  }
0x13b: {  	[sflag:s13] =	ssyncset.done $0x0  }
0x13c: {  	s14 =	simm.s32 $0x8;
	s15 =	rddreg [dreg:$0x7];
	[sflag:s13] =	ssyncadd.s32 $0xFFFFA000  }
0x13d: {  	[hbm4b:s15+s3] =	stream.linear.scatter [tilespmem:s4], [sflag:$0x8], $0x6000, $0x38;
	[tilespmem:$0x18100] =	vst v63  }
0x13e: {  	_ =	swait.ge [sflag:s14], $0x6000  }
0x13f: {  	[sflag:s14] =	ssyncset.done $0x0  }
0x140: {  	[sflag:s14] =	ssyncadd.s32 $0xFFFFA000  }
0x141: {  	v3 =	vld [tilespmem:$0xE0];
	_ =	sdelay $0x4  }
0x142: {  	v62 =	vshrl.u32 v3, $0x3  }
0x143: {  	v4 =	vmul.u32 $0x30, v62  }
0x144: {  	v3 =	vand.u32 $0x7, v3  }
0x145: {  	v3 =	vor.u32 v3, v4  }
0x146: {  	v4 =	vperm.xlane v3, v0;
	_ =	sdelay $0x1  }
0x147: {  	v4 =	vadd.s32 v1, v4;
	_ =	sdelay $0x3  }
0x148: {  	v3 =	vperm.xlane v3, v2  }
0x149: {  	[tilespmem:s4], [sflag:$0x4] =	stream.indirect_vreg.gather [hbm4b:s1+s3], $0x80, v4, vm0, $0xb8;
	[tilespmem:$0x18100] =	vst v63  }
0x14a: {  	s19 =	simm.s32 $0x12900;
	v3 =	vadd.s32 v1, v3  }
0x14b: {  	[tilespmem:s19], [sflag:$0x4] =	stream.indirect_vreg.gather [hbm4b:s5+s3], $0x80, v4, vm0, $0xb8;
	[tilespmem:$0x18100] =	vst v63  }
0x14c: {  	s19 =	simm.s32 $0x13100  }
0x14d: {  	[tilespmem:s19], [sflag:$0x4] =	stream.indirect_vreg.gather [hbm4b:s6+s3], $0x80, v4, vm0, $0xb8;
	[tilespmem:$0x18100] =	vst v63  }
0x14e: {  	s19 =	simm.s32 $0x13900  }
0x14f: {  	[tilespmem:s19], [sflag:$0x4] =	stream.indirect_vreg.gather [hbm4b:s1+s3], $0x80, v3, vm0, $0xb8;
	[tilespmem:$0x18100] =	vst v63  }
0x150: {  	s19 =	simm.s32 $0x14100  }
0x151: {  	[tilespmem:s19], [sflag:$0x4] =	stream.indirect_vreg.gather [hbm4b:s5+s3], $0x80, v3, vm0, $0xb8;
	[tilespmem:$0x18100] =	vst v63  }
0x152: {  	s19 =	simm.s32 $0x14900  }
0x153: {  	[tilespmem:s19], [sflag:$0x4] =	stream.indirect_vreg.gather [hbm4b:s6+s3], $0x80, v3, vm0, $0xb8;
	[tilespmem:$0x18100] =	vst v63  }
0x154: {  	v3 =	vld [tilespmem:$0xF0];
	_ =	sdelay $0x4  }
0x155: {  	v63 =	vshrl.u32 v3, $0x3  }
0x156: {  	v4 =	vmul.u32 $0x30, v63  }
0x157: {  	v3 =	vand.u32 $0x7, v3  }
0x158: {  	v3 =	vor.u32 v3, v4  }
0x159: {  	v4 =	vperm.xlane v3, v0;
	_ =	sdelay $0x1  }
0x15a: {  	v4 =	vadd.s32 v1, v4;
	_ =	sdelay $0x3  }
0x15b: {  	s19 =	simm.s32 $0x15100;
	v3 =	vperm.xlane v3, v2  }
0x15c: {  	[tilespmem:s19], [sflag:$0x4] =	stream.indirect_vreg.gather [hbm4b:s1+s3], $0x80, v4, vm0, $0xb8;
	[tilespmem:$0x18100] =	vst v63  }
0x15d: {  	v3 =	vadd.s32 v1, v3;
	s19 =	simm.s32 $0x15900  }
0x15e: {  	[tilespmem:s19], [sflag:$0x4] =	stream.indirect_vreg.gather [hbm4b:s5+s3], $0x80, v4, vm0, $0xb8;
	[tilespmem:$0x18100] =	vst v63  }
0x15f: {  	s19 =	simm.s32 $0x16100  }
0x160: {  	[tilespmem:s19], [sflag:$0x4] =	stream.indirect_vreg.gather [hbm4b:s6+s3], $0x80, v4, vm0, $0xb8;
	[tilespmem:$0x18100] =	vst v63  }
0x161: {  	s19 =	simm.s32 $0x16900  }
0x162: {  	[tilespmem:s19], [sflag:$0x4] =	stream.indirect_vreg.gather [hbm4b:s1+s3], $0x80, v3, vm0, $0xb8;
	[tilespmem:$0x18100] =	vst v63  }
0x163: {  	s19 =	simm.s32 $0x17100  }
0x164: {  	[tilespmem:s19], [sflag:$0x4] =	stream.indirect_vreg.gather [hbm4b:s5+s3], $0x80, v3, vm0, $0xb8;
	[tilespmem:$0x18100] =	vst v63  }
0x165: {  	s19 =	simm.s32 $0x17900  }
0x166: {  	[tilespmem:s19], [sflag:$0x4] =	stream.indirect_vreg.gather [hbm4b:s6+s3], $0x80, v3, vm0, $0xb8;
	[tilespmem:$0x18100] =	vst v63  }
0x167: {  	_ =	swait.ge [sflag:s0], $0x6000  }
0x168: {  	[sflag:s0] =	ssyncset.done $0x0  }
0x169: {  	s15 =	simm.s32 $0x100;
	s19 =	rddreg [dreg:$0x8];
	[sflag:s0] =	ssyncadd.s32 $0xFFFFA000  }
0x16a: {  	[hbm4b:s19+s3] =	stream.linear.scatter [tilespmem:s15], [sflag:$0x5], $0x6000, $0x38;
	[tilespmem:$0x18100] =	vst v63  }
0x16b: {  	_ =	swait.ge [sflag:s8], $0x6000  }
0x16c: {  	[sflag:s8] =	ssyncset.done $0x0  }
0x16d: {  	s7 =	simm.s32 $0x6100;
	s0 =	rddreg [dreg:$0x9];
	[sflag:s8] =	ssyncadd.s32 $0xFFFFA000  }
0x16e: {  	[hbm4b:s0+s3] =	stream.linear.scatter [tilespmem:s7], [sflag:$0x6], $0x6000, $0x38;
	[tilespmem:$0x18100] =	vst v63  }
0x16f: {  	_ =	swait.ge [sflag:s11], $0x6000  }
0x170: {  	[sflag:s11] =	ssyncset.done $0x0  }
0x171: {  	s8 =	rddreg [dreg:$0xa];
	[sflag:s11] =	ssyncadd.s32 $0xFFFFA000  }
0x172: {  	[hbm4b:s8+s3] =	stream.linear.scatter [tilespmem:s17], [sflag:$0x7], $0x6000, $0x38;
	[tilespmem:$0x18100] =	vst v63  }
0x173: {  	_ =	swait.ge [sflag:s13], $0x6000  }
0x174: {  	[sflag:s13] =	ssyncset.done $0x0  }
0x175: {  	s15 =	rddreg [dreg:$0xb];
	[sflag:s13] =	ssyncadd.s32 $0xFFFFA000  }
0x176: {  	[hbm4b:s15+s3] =	stream.linear.scatter [tilespmem:s4], [sflag:$0x8], $0x6000, $0x38;
	[tilespmem:$0x18100] =	vst v63  }
0x177: {  	_ =	swait.ge [sflag:s2], $0x6000  }
0x178: {  	[sflag:s2] =	ssyncset.done $0x0  }
0x179: {  	[sflag:s2] =	ssyncadd.s32 $0xFFFFA000  }
0x17a: {  	_ =	swait.ge [sflag:s9], $0x6000  }
0x17b: {  	[sflag:s9] =	ssyncset.done $0x0  }
0x17c: {  	[sflag:s9] =	ssyncadd.s32 $0xFFFFA000  }
0x17d: {  	p0 =	sne.s32 s10, $0x1;
	_ =	swait.ge [sflag:s12], $0x6000  }
.Ltmp0:
0x17e: {  	[sflag:s12] =	ssyncset.done $0x0;
	(pc) =	sbr.rel @p0 .LBB2_1-.Ltmp0, $4  }
0x17f: {  	[sflag:s12] =	ssyncadd.s32 $0xFFFFA000  }
0x180: {  	_ =	swait.ge [sflag:s14], $0x6000  }
0x181: {  	[sflag:s14] =	ssyncset.done $0x0  }
0x182: {  	s10 =	sadd.s32 $0xFFFFFFFF, s10;
	[sflag:s14] =	ssyncadd.s32 $0xFFFFA000  }
0x183: {  	_ =	sfence.sel $0x180000  }
0x184: {  	[bflag:$0x0] =	sbarrier.arrive $0xFFFF  }
0x185: {  	_ =	strace $0x90000047  }
0x186: {  	s0 =	stileid.u32;
	[bflag:$0x2] =	sbarrier.arrive $0xFFFF  }
0x187: {  	p0 =	sne.s32 s0, $0x0;
	s0 =	rddreg [dreg:$0x3]  }
0x188: {  	s0 =	sadd.s32 @!p0 $0x100000, s0  }
0x189: {  	[sflag:s0] =	ssyncadd.tile.s32 @!p0 $0x1;
	_ =	shalt  }
.Lfunc_end2:
_tile_overlayer_lowered:
.L_overlay_start_2:
0x18a: {  	(tag) =	ssettag $0x2  }
0x18b: {  	s0 =	rddreg [dreg:$0x0];
	s2 =	stileid.u32  }
0x18c: {  	s1 =	rddreg [dreg:$0x1];
	p0 =	sne.s32 s2, $0x0  }
0x18d: {  	s3 =	rddreg [dreg:$0x2];
	[bflag:$0x3] =	sbarrier.arrive $0xFFFF;
	s2 =	simm.s32 @!p0 $0x1C09  }
0x18e: {  	[timem:s3], [sflag:s2] =	dma.local @!p0 [hbm:s0], s1  }
0x18f: {  	s0 =	simm.s32 @!p0 $0x9  }
0x190: {  	_ =	swait.ge @!p0 [sflag:s0], s1  }
0x191: {  	s1 =	ssub.s32 @!p0 $0x0, s1;
	[sflag:s0] =	ssyncset.done @!p0 $0x0  }
0x192: {  	[sflag:s0] =	ssyncadd.s32 @!p0 s1  }
0x193: {  	[bflag:$0x3] =	sbarrier.arrive $0xFFFF  }
0x194: {  	_ =	shalt  }

</sc_bundles>
